<compile_context>
chip_gen: v7x
topology: tpu7x:2x2x1
jax: 0.10.2.dev20260603
libtpu: 0.0.44.dev20260713+nightly
codegen_flags: <defaults>
</compile_context>

<pallas_src>
import functools

import jax
import jax.numpy as jnp
from jax import lax
from jax.experimental import pallas as pl
from jax.experimental.pallas import tpu as pltpu
from jax.experimental.pallas import tpu_sc as plsc

N_NODES = 10000
N_EDGES = 320000
D_FEAT = 128

L = 16
NW = 32
E_PER_W = N_EDGES // NW
C = 80
N_CHUNKS = E_PER_W // C
G_PER_C = C // L


def _dot_kernel(feat_hbm, src_hbm, dst_hbm, out_hbm,
                tab, idx_s, idx_d, scores,
                rows_s0, rows_d0, rows_s1, rows_d1,
                sem_s0, sem_d0, sem_s1, sem_d1):
    sid = lax.axis_index("s")
    wid = sid * 2 + lax.axis_index("c")
    base = wid * E_PER_W
    lane_iota = lax.iota(jnp.int32, L)

    rows_per_sub = N_NODES // 16
    pltpu.sync_copy(feat_hbm.at[pl.ds(sid * rows_per_sub, rows_per_sub)],
                    tab.at[pl.ds(sid * rows_per_sub, rows_per_sub)])
    plsc.subcore_barrier()

    pltpu.sync_copy(src_hbm.at[pl.ds(base, E_PER_W)], idx_s)
    pltpu.sync_copy(dst_hbm.at[pl.ds(base, E_PER_W)], idx_d)

    def issue(c, rows_s, rows_d, sem_s, sem_d):
        off = c * C
        s = pltpu.async_copy(tab.at[idx_s.at[pl.ds(off, C)]], rows_s,
                             sem_s)
        d = pltpu.async_copy(tab.at[idx_d.at[pl.ds(off, C)]], rows_d,
                             sem_d)
        return s, d

    def wait(rows_s, rows_d, sem_s, sem_d):
        pltpu.make_async_copy(tab.at[idx_s.at[pl.ds(0, C)]], rows_s,
                              sem_s).wait()
        pltpu.make_async_copy(tab.at[idx_d.at[pl.ds(0, C)]], rows_d,
                              sem_d).wait()

    def compute(c, rows_s, rows_d):
        def group_body(g, _):
            r0 = g * L

            def edge_body(e, sv):
                r = r0 + e
                p = [plsc.bitcast(rows_s[r, pl.ds(dk * L, L)], jnp.bfloat16)
                     * plsc.bitcast(rows_d[r, pl.ds(dk * L, L)], jnp.bfloat16)
                     for dk in range(D_FEAT // (2 * L))]
                q = (p[0] + p[1]) + (p[2] + p[3])
                qa, qb = plsc.unpack(q, format=plsc.PackFormat.INTERLEAVED)
                acc = qa + qb
                return jnp.where(lane_iota == e, jnp.sum(acc), sv)

            sv = lax.fori_loop(0, L, edge_body, jnp.zeros((L,), jnp.float32))
            scores[pl.ds(c * C + r0, L)] = sv
            return 0

        lax.fori_loop(0, G_PER_C, group_body, 0)

    issue(0, rows_s0, rows_d0, sem_s0, sem_d0)
    issue(1, rows_s1, rows_d1, sem_s1, sem_d1)

    def pair_body(j, _):
        c0 = 2 * j
        wait(rows_s0, rows_d0, sem_s0, sem_d0)
        compute(c0, rows_s0, rows_d0)
        issue(c0 + 2, rows_s0, rows_d0, sem_s0, sem_d0)
        wait(rows_s1, rows_d1, sem_s1, sem_d1)
        compute(c0 + 1, rows_s1, rows_d1)

        @pl.when(j < (N_CHUNKS - 1) // 2 - 1)
        def _():
            issue(c0 + 3, rows_s1, rows_d1, sem_s1, sem_d1)

        return 0

    lax.fori_loop(0, (N_CHUNKS - 1) // 2, pair_body, 0)
    wait(rows_s0, rows_d0, sem_s0, sem_d0)
    compute(N_CHUNKS - 1, rows_s0, rows_d0)

    pltpu.sync_copy(scores, out_hbm.at[pl.ds(base, E_PER_W)])


@jax.jit
def kernel(node_feat, edge_index):
    feat16 = lax.bitcast_convert_type(
        node_feat.astype(jnp.bfloat16).reshape(N_NODES, D_FEAT // 2, 2),
        jnp.int32)
    src = edge_index[0].astype(jnp.int32)
    dst = edge_index[1].astype(jnp.int32)
    mesh = plsc.VectorSubcoreMesh(core_axis_name="c", subcore_axis_name="s")
    run = pl.kernel(
        _dot_kernel,
        out_type=jax.ShapeDtypeStruct((N_EDGES,), jnp.float32),
        mesh=mesh,
        compiler_params=pltpu.CompilerParams(needs_layout_passes=False,
                                             use_tc_tiling_on_sc=False),
        scratch_types=[
            pltpu.VMEM_SHARED((N_NODES, D_FEAT // 2), jnp.int32),
            pltpu.VMEM((E_PER_W,), jnp.int32),
            pltpu.VMEM((E_PER_W,), jnp.int32),
            pltpu.VMEM((E_PER_W,), jnp.float32),
            pltpu.VMEM((C, D_FEAT // 2), jnp.int32),
            pltpu.VMEM((C, D_FEAT // 2), jnp.int32),
            pltpu.VMEM((C, D_FEAT // 2), jnp.int32),
            pltpu.VMEM((C, D_FEAT // 2), jnp.int32),
            pltpu.SemaphoreType.DMA,
            pltpu.SemaphoreType.DMA,
            pltpu.SemaphoreType.DMA,
            pltpu.SemaphoreType.DMA,
        ],
    )
    return run(feat16, src, dst)

# --- scband reference (transcript-rebuilt; emitter-appended) ---
"""Pipeline reference for scband-dot-product-predictor-53626961658087 (READ-ONLY COPY).

The authoritative reference and input builder live on the scoring server;
editing this copy changes nothing except your own understanding.
"""

import jax, jax.numpy as jnp
import numpy as np

N_NODES = 10000
N_EDGES = 320000
D_FEAT = 128


def setup_inputs(seed: int = 0) -> dict:
    key = jax.random.key(seed)
    k1, k2 = jax.random.split(key, 2)
    node_feat = jax.random.normal(k1, (N_NODES, D_FEAT), dtype=jnp.float32)
    edge_index = jax.random.randint(k2, (2, N_EDGES), 0, N_NODES, dtype=jnp.int64)
    return {"node_feat": node_feat, "edge_index": edge_index}


def reference(node_feat, edge_index):
    # DGL u_dot_v('h', 'h', 'score'): for each edge (u, v) compute dot(h_u, h_v).
    # Single canonical etype (homogeneous graph), so the cat over etypes is just
    # the per-edge score vector, flattened.
    src = edge_index[0]
    dst = edge_index[1]
    h_u = jnp.take(node_feat, src, axis=0)   # gather src node features [E, d]
    h_v = jnp.take(node_feat, dst, axis=0)   # gather dst node features [E, d]
    score = jnp.sum(h_u * h_v, axis=-1, keepdims=True)  # u_dot_v -> [E, 1]
    return score.reshape(-1)  # torch.cat(score).flatten() -> [E]

if __name__ == "__main__":
    import jax
    _d = setup_inputs()
    print(jax.jit(kernel)(*tuple(_d.values())))

</pallas_src>

<mosaic_0001>
#map = affine_map<(d0, d1) -> (0, 0)>
#map1 = affine_map<(d0, d1) -> (0)>
module attributes {stable_mosaic.version = 14 : i64} {
  func.func @_dot_kernel(%arg0: i32, %arg1: i32, %arg2: memref<10000x64xi32, #tpu.memory_space<hbm>>, %arg3: memref<320000xi32, #tpu.memory_space<hbm>>, %arg4: memref<320000xi32, #tpu.memory_space<hbm>>, %arg5: memref<320000xf32, #tpu.memory_space<hbm>>, %arg6: memref<10000x64xi32, #tpu.memory_space<vmem_shared>>, %arg7: memref<10000xi32, #tpu.memory_space<vmem>>, %arg8: memref<10000xi32, #tpu.memory_space<vmem>>, %arg9: memref<10000xf32, #tpu.memory_space<vmem>>, %arg10: memref<80x64xi32, #tpu.memory_space<vmem>>, %arg11: memref<80x64xi32, #tpu.memory_space<vmem>>, %arg12: memref<80x64xi32, #tpu.memory_space<vmem>>, %arg13: memref<80x64xi32, #tpu.memory_space<vmem>>, %arg14: memref<!tpu.dma_semaphore, #tpu.memory_space<semaphore_mem>>, %arg15: memref<!tpu.dma_semaphore, #tpu.memory_space<semaphore_mem>>, %arg16: memref<!tpu.dma_semaphore, #tpu.memory_space<semaphore_mem>>, %arg17: memref<!tpu.dma_semaphore, #tpu.memory_space<semaphore_mem>>) attributes {dimension_semantics = [#tpu.dimension_semantics<core_parallel>, #tpu.dimension_semantics<subcore_parallel>], iteration_bounds = array<i64: 2, 16>, scalar_prefetch = 0 : i64, scratch_operands = 12 : i64, tpu.core_type = #tpu.core_type<sc_vector_subcore>, window_params = [{transform_indices = #map}, {transform_indices = #map1}, {transform_indices = #map1}, {transform_indices = #map1}]} {
    %mul3A = arith.constant 2 : i32
    %mul3A_0 = arith.muli %arg1, %mul3A : i32
    %add3A = arith.addi %mul3A_0, %arg0 : i32
    %mul3A_1 = arith.constant 10000 : i32
    %mul3A_2 = arith.muli %add3A, %mul3A_1 : i32
    %iota3A = tpu.iota {dimensions = array<i32: 0>} : vector<16xi32>
    %mul3A_3 = arith.constant 625 : i32
    %mul3A_4 = arith.muli %arg1, %mul3A_3 : i32
    %mul3A_5 = arith.constant 625 : i32
    %mul3A_6 = arith.muli %arg1, %mul3A_5 : i32
    "tpu.region"() ({
      %run_scoped3A = tpu.sem_alloc : memref<!tpu.dma_semaphore, #tpu.memory_space<semaphore_mem>>
      %dma_start3A_48 = arith.constant 0 : i32
      %dma_start3A_49 = tpu.memref_slice %arg6[%mul3A_6, %dma_start3A_48] : memref<10000x64xi32, #tpu.memory_space<vmem_shared>> -> memref<625x64xi32, #tpu.memory_space<vmem_shared>>
      %dma_start3A_50 = arith.constant 0 : i32
      %dma_start3A_51 = tpu.memref_slice %arg2[%mul3A_4, %dma_start3A_50] : memref<10000x64xi32, #tpu.memory_space<hbm>> -> memref<625x64xi32, #tpu.memory_space<hbm>>
      tpu.enqueue_dma source(%dma_start3A_51 : memref<625x64xi32, #tpu.memory_space<hbm>>) target(%dma_start3A_49 : memref<625x64xi32, #tpu.memory_space<vmem_shared>>) target_semaphore(%run_scoped3A : memref<!tpu.dma_semaphore, #tpu.memory_space<semaphore_mem>>)
      %dma_wait3A_52 = arith.constant 0 : i32
      %dma_wait3A_53 = tpu.memref_slice %arg6[%mul3A_6, %dma_wait3A_52] : memref<10000x64xi32, #tpu.memory_space<vmem_shared>> -> memref<625x64xi32, #tpu.memory_space<vmem_shared>>
      %dma_wait3A_54 = arith.constant 0 : i32
      %dma_wait3A_55 = tpu.memref_slice %arg2[%mul3A_4, %dma_wait3A_54] : memref<10000x64xi32, #tpu.memory_space<hbm>> -> memref<625x64xi32, #tpu.memory_space<hbm>>
      tpu.wait_dma2 semaphore(%run_scoped3A : memref<!tpu.dma_semaphore, #tpu.memory_space<semaphore_mem>>) src(%dma_wait3A_55 : memref<625x64xi32, #tpu.memory_space<hbm>>) dst(%dma_wait3A_53 : memref<625x64xi32, #tpu.memory_space<vmem_shared>>)
      tpu.yield
    }) : () -> ()
    %barrier3A = arith.constant 0 : index
    tpu.barrier barrier_id(%barrier3A)
    "tpu.region"() ({
      %run_scoped3A = tpu.sem_alloc : memref<!tpu.dma_semaphore, #tpu.memory_space<semaphore_mem>>
      %dma_start3A_48 = tpu.memref_slice %arg3[%mul3A_2] : memref<320000xi32, #tpu.memory_space<hbm>> -> memref<10000xi32, #tpu.memory_space<hbm>>
      %dma_start3A_49 = tpu.memref_slice %arg3[%mul3A_2] : memref<320000xi32, #tpu.memory_space<hbm>> -> memref<10000xi32, #tpu.memory_space<hbm>>
      tpu.enqueue_dma source(%dma_start3A_49 : memref<10000xi32, #tpu.memory_space<hbm>>) target(%arg7 : memref<10000xi32, #tpu.memory_space<vmem>>) target_semaphore(%run_scoped3A : memref<!tpu.dma_semaphore, #tpu.memory_space<semaphore_mem>>)
      %dma_wait3A_50 = tpu.memref_slice %arg3[%mul3A_2] : memref<320000xi32, #tpu.memory_space<hbm>> -> memref<10000xi32, #tpu.memory_space<hbm>>
      %dma_wait3A_51 = tpu.memref_slice %arg3[%mul3A_2] : memref<320000xi32, #tpu.memory_space<hbm>> -> memref<10000xi32, #tpu.memory_space<hbm>>
      tpu.wait_dma2 semaphore(%run_scoped3A : memref<!tpu.dma_semaphore, #tpu.memory_space<semaphore_mem>>) src(%dma_wait3A_51 : memref<10000xi32, #tpu.memory_space<hbm>>) dst(%arg7 : memref<10000xi32, #tpu.memory_space<vmem>>)
      tpu.yield
    }) : () -> ()
    "tpu.region"() ({
      %run_scoped3A = tpu.sem_alloc : memref<!tpu.dma_semaphore, #tpu.memory_space<semaphore_mem>>
      %dma_start3A_48 = tpu.memref_slice %arg4[%mul3A_2] : memref<320000xi32, #tpu.memory_space<hbm>> -> memref<10000xi32, #tpu.memory_space<hbm>>
      %dma_start3A_49 = tpu.memref_slice %arg4[%mul3A_2] : memref<320000xi32, #tpu.memory_space<hbm>> -> memref<10000xi32, #tpu.memory_space<hbm>>
      tpu.enqueue_dma source(%dma_start3A_49 : memref<10000xi32, #tpu.memory_space<hbm>>) target(%arg8 : memref<10000xi32, #tpu.memory_space<vmem>>) target_semaphore(%run_scoped3A : memref<!tpu.dma_semaphore, #tpu.memory_space<semaphore_mem>>)
      %dma_wait3A_50 = tpu.memref_slice %arg4[%mul3A_2] : memref<320000xi32, #tpu.memory_space<hbm>> -> memref<10000xi32, #tpu.memory_space<hbm>>
      %dma_wait3A_51 = tpu.memref_slice %arg4[%mul3A_2] : memref<320000xi32, #tpu.memory_space<hbm>> -> memref<10000xi32, #tpu.memory_space<hbm>>
      tpu.wait_dma2 semaphore(%run_scoped3A : memref<!tpu.dma_semaphore, #tpu.memory_space<semaphore_mem>>) src(%dma_wait3A_51 : memref<10000xi32, #tpu.memory_space<hbm>>) dst(%arg8 : memref<10000xi32, #tpu.memory_space<vmem>>)
      tpu.yield
    }) : () -> ()
    %dma_start3A = arith.constant 0 : i32
    %dma_start3A_7 = tpu.memref_slice %arg7[%dma_start3A] : memref<10000xi32, #tpu.memory_space<vmem>> -> memref<80xi32, #tpu.memory_space<vmem>>
    %dma_start3A_8 = arith.constant 0 : i32
    %dma_start3A_9 = arith.constant 0 : i32
    %dma_start3A_10 = tpu.memref_slice %arg6[%dma_start3A_8, %dma_start3A_9] : memref<10000x64xi32, #tpu.memory_space<vmem_shared>> -> memref<10000x64xi32, #tpu.memory_space<vmem_shared>>
    tpu.enqueue_indirect_dma source(%dma_start3A_10 : memref<10000x64xi32, #tpu.memory_space<vmem_shared>>) target(%arg10 : memref<80x64xi32, #tpu.memory_space<vmem>>) offsets(%dma_start3A_7 : memref<80xi32, #tpu.memory_space<vmem>>) semaphore(%arg14 : memref<!tpu.dma_semaphore, #tpu.memory_space<semaphore_mem>>)
    %dma_start3A_11 = arith.constant 0 : i32
    %dma_start3A_12 = tpu.memref_slice %arg8[%dma_start3A_11] : memref<10000xi32, #tpu.memory_space<vmem>> -> memref<80xi32, #tpu.memory_space<vmem>>
    %dma_start3A_13 = arith.constant 0 : i32
    %dma_start3A_14 = arith.constant 0 : i32
    %dma_start3A_15 = tpu.memref_slice %arg6[%dma_start3A_13, %dma_start3A_14] : memref<10000x64xi32, #tpu.memory_space<vmem_shared>> -> memref<10000x64xi32, #tpu.memory_space<vmem_shared>>
    tpu.enqueue_indirect_dma source(%dma_start3A_15 : memref<10000x64xi32, #tpu.memory_space<vmem_shared>>) target(%arg11 : memref<80x64xi32, #tpu.memory_space<vmem>>) offsets(%dma_start3A_12 : memref<80xi32, #tpu.memory_space<vmem>>) semaphore(%arg15 : memref<!tpu.dma_semaphore, #tpu.memory_space<semaphore_mem>>)
    %dma_start3A_16 = arith.constant 80 : i32
    %dma_start3A_17 = tpu.memref_slice %arg7[%dma_start3A_16] : memref<10000xi32, #tpu.memory_space<vmem>> -> memref<80xi32, #tpu.memory_space<vmem>>
    %dma_start3A_18 = arith.constant 0 : i32
    %dma_start3A_19 = arith.constant 0 : i32
    %dma_start3A_20 = tpu.memref_slice %arg6[%dma_start3A_18, %dma_start3A_19] : memref<10000x64xi32, #tpu.memory_space<vmem_shared>> -> memref<10000x64xi32, #tpu.memory_space<vmem_shared>>
    tpu.enqueue_indirect_dma source(%dma_start3A_20 : memref<10000x64xi32, #tpu.memory_space<vmem_shared>>) target(%arg12 : memref<80x64xi32, #tpu.memory_space<vmem>>) offsets(%dma_start3A_17 : memref<80xi32, #tpu.memory_space<vmem>>) semaphore(%arg16 : memref<!tpu.dma_semaphore, #tpu.memory_space<semaphore_mem>>)
    %dma_start3A_21 = arith.constant 80 : i32
    %dma_start3A_22 = tpu.memref_slice %arg8[%dma_start3A_21] : memref<10000xi32, #tpu.memory_space<vmem>> -> memref<80xi32, #tpu.memory_space<vmem>>
    %dma_start3A_23 = arith.constant 0 : i32
    %dma_start3A_24 = arith.constant 0 : i32
    %dma_start3A_25 = tpu.memref_slice %arg6[%dma_start3A_23, %dma_start3A_24] : memref<10000x64xi32, #tpu.memory_space<vmem_shared>> -> memref<10000x64xi32, #tpu.memory_space<vmem_shared>>
    tpu.enqueue_indirect_dma source(%dma_start3A_25 : memref<10000x64xi32, #tpu.memory_space<vmem_shared>>) target(%arg13 : memref<80x64xi32, #tpu.memory_space<vmem>>) offsets(%dma_start3A_22 : memref<80xi32, #tpu.memory_space<vmem>>) semaphore(%arg17 : memref<!tpu.dma_semaphore, #tpu.memory_space<semaphore_mem>>)
    %scan3A = arith.constant 0 : i32
    %scan3A_26 = arith.constant 0 : i32
    %scan3A_27 = arith.constant 62 : i32
    %scan3A_28 = arith.addi %scan3A_26, %scan3A_27 : i32
    %scan3A_29 = arith.constant 1 : i32
    %scan3A_30 = scf.for %scan3A_48 = %scan3A_26 to %scan3A_28 step %scan3A_29 iter_args(%scan3A_49 = %scan3A) -> (i32)  : i32 {
      %mul3A_50 = arith.constant 2 : i32
      %mul3A_51 = arith.muli %mul3A_50, %scan3A_48 : i32
      %dma_wait3A_52 = arith.constant 0 : i32
      %dma_wait3A_53 = tpu.memref_slice %arg7[%dma_wait3A_52] : memref<10000xi32, #tpu.memory_space<vmem>> -> memref<80xi32, #tpu.memory_space<vmem>>
      %dma_wait3A_54 = arith.constant 0 : i32
      %dma_wait3A_55 = arith.constant 0 : i32
      %dma_wait3A_56 = tpu.memref_slice %arg6[%dma_wait3A_54, %dma_wait3A_55] : memref<10000x64xi32, #tpu.memory_space<vmem_shared>> -> memref<10000x64xi32, #tpu.memory_space<vmem_shared>>
      tpu.wait_indirect_dma semaphore(%arg14 : memref<!tpu.dma_semaphore, #tpu.memory_space<semaphore_mem>>) src(%dma_wait3A_56 : memref<10000x64xi32, #tpu.memory_space<vmem_shared>>) dst(%arg10 : memref<80x64xi32, #tpu.memory_space<vmem>>)
      %dma_wait3A_57 = arith.constant 0 : i32
      %dma_wait3A_58 = tpu.memref_slice %arg8[%dma_wait3A_57] : memref<10000xi32, #tpu.memory_space<vmem>> -> memref<80xi32, #tpu.memory_space<vmem>>
      %dma_wait3A_59 = arith.constant 0 : i32
      %dma_wait3A_60 = arith.constant 0 : i32
      %dma_wait3A_61 = tpu.memref_slice %arg6[%dma_wait3A_59, %dma_wait3A_60] : memref<10000x64xi32, #tpu.memory_space<vmem_shared>> -> memref<10000x64xi32, #tpu.memory_space<vmem_shared>>
      tpu.wait_indirect_dma semaphore(%arg15 : memref<!tpu.dma_semaphore, #tpu.memory_space<semaphore_mem>>) src(%dma_wait3A_61 : memref<10000x64xi32, #tpu.memory_space<vmem_shared>>) dst(%arg11 : memref<80x64xi32, #tpu.memory_space<vmem>>)
      %scan3A_62 = arith.constant 0 : i32
      %scan3A_63 = arith.constant 0 : i32
      %scan3A_64 = arith.constant 5 : i32
      %scan3A_65 = arith.addi %scan3A_63, %scan3A_64 : i32
      %scan3A_66 = arith.constant 1 : i32
      %scan3A_67 = scf.for %scan3A_103 = %scan3A_63 to %scan3A_65 step %scan3A_66 iter_args(%scan3A_104 = %scan3A_62) -> (i32)  : i32 {
        %mul3A_105 = arith.constant 16 : i32
        %mul3A_106 = arith.muli %scan3A_103, %mul3A_105 : i32
        %broadcast_in_dim3A = arith.constant 0.000000e+00 : f32
        %broadcast_in_dim3A_107 = vector.broadcast %broadcast_in_dim3A : f32 to vector<16xf32>
        %scan3A_108 = arith.constant 0 : i32
        %scan3A_109 = arith.constant 16 : i32
        %scan3A_110 = arith.addi %scan3A_108, %scan3A_109 : i32
        %scan3A_111 = arith.constant 1 : i32
        %scan3A_112 = scf.for %scan3A_119 = %scan3A_108 to %scan3A_110 step %scan3A_111 iter_args(%scan3A_120 = %broadcast_in_dim3A_107) -> (vector<16xf32>)  : i32 {
          %add3A_121 = arith.addi %mul3A_106, %scan3A_119 : i32
          %get3A = arith.index_cast %add3A_121 : i32 to index
          %get3A_122 = arith.constant 0 : index
          %get3A_123 = tpu.vector_load %arg10[%get3A, %get3A_122] {strides = array<i32>} : memref<80x64xi32, #tpu.memory_space<vmem>>, vector<16xi32>,
          %bitcast3A = vector.bitcast %get3A_123 : vector<16xi32> to vector<32xbf16>
          %get3A_124 = arith.index_cast %add3A_121 : i32 to index
          %get3A_125 = arith.constant 0 : index
          %get3A_126 = tpu.vector_load %arg11[%get3A_124, %get3A_125] {strides = array<i32>} : memref<80x64xi32, #tpu.memory_space<vmem>>, vector<16xi32>,
          %bitcast3A_127 = vector.bitcast %get3A_126 : vector<16xi32> to vector<32xbf16>
          %mul3A_128 = arith.mulf %bitcast3A, %bitcast3A_127 : vector<32xbf16>
          %get3A_129 = arith.index_cast %add3A_121 : i32 to index
          %get3A_130 = arith.constant 16 : index
          %get3A_131 = tpu.vector_load %arg10[%get3A_129, %get3A_130] {strides = array<i32>} : memref<80x64xi32, #tpu.memory_space<vmem>>, vector<16xi32>,
          %bitcast3A_132 = vector.bitcast %get3A_131 : vector<16xi32> to vector<32xbf16>
          %get3A_133 = arith.index_cast %add3A_121 : i32 to index
          %get3A_134 = arith.constant 16 : index
          %get3A_135 = tpu.vector_load %arg11[%get3A_133, %get3A_134] {strides = array<i32>} : memref<80x64xi32, #tpu.memory_space<vmem>>, vector<16xi32>,
          %bitcast3A_136 = vector.bitcast %get3A_135 : vector<16xi32> to vector<32xbf16>
          %mul3A_137 = arith.mulf %bitcast3A_132, %bitcast3A_136 : vector<32xbf16>
          %get3A_138 = arith.index_cast %add3A_121 : i32 to index
          %get3A_139 = arith.constant 32 : index
          %get3A_140 = tpu.vector_load %arg10[%get3A_138, %get3A_139] {strides = array<i32>} : memref<80x64xi32, #tpu.memory_space<vmem>>, vector<16xi32>,
          %bitcast3A_141 = vector.bitcast %get3A_140 : vector<16xi32> to vector<32xbf16>
          %get3A_142 = arith.index_cast %add3A_121 : i32 to index
          %get3A_143 = arith.constant 32 : index
          %get3A_144 = tpu.vector_load %arg11[%get3A_142, %get3A_143] {strides = array<i32>} : memref<80x64xi32, #tpu.memory_space<vmem>>, vector<16xi32>,
          %bitcast3A_145 = vector.bitcast %get3A_144 : vector<16xi32> to vector<32xbf16>
          %mul3A_146 = arith.mulf %bitcast3A_141, %bitcast3A_145 : vector<32xbf16>
          %get3A_147 = arith.index_cast %add3A_121 : i32 to index
          %get3A_148 = arith.constant 48 : index
          %get3A_149 = tpu.vector_load %arg10[%get3A_147, %get3A_148] {strides = array<i32>} : memref<80x64xi32, #tpu.memory_space<vmem>>, vector<16xi32>,
          %bitcast3A_150 = vector.bitcast %get3A_149 : vector<16xi32> to vector<32xbf16>
          %get3A_151 = arith.index_cast %add3A_121 : i32 to index
          %get3A_152 = arith.constant 48 : index
          %get3A_153 = tpu.vector_load %arg11[%get3A_151, %get3A_152] {strides = array<i32>} : memref<80x64xi32, #tpu.memory_space<vmem>>, vector<16xi32>,
          %bitcast3A_154 = vector.bitcast %get3A_153 : vector<16xi32> to vector<32xbf16>
          %mul3A_155 = arith.mulf %bitcast3A_150, %bitcast3A_154 : vector<32xbf16>
          %add3A_156 = arith.addf %mul3A_128, %mul3A_137 : vector<32xbf16>
          %add3A_157 = arith.addf %mul3A_146, %mul3A_155 : vector<32xbf16>
          %add3A_158 = arith.addf %add3A_156, %add3A_157 : vector<32xbf16>
          %unpack3A = tpu.unpack_subelements %add3A_158, 0 {pack_format = #tpu.pack_format<interleaved>} : vector<32xbf16> -> vector<16xf32>
          %unpack3A_159 = tpu.unpack_subelements %add3A_158, 1 {pack_format = #tpu.pack_format<interleaved>} : vector<32xbf16> -> vector<16xf32>
          %add3A_160 = arith.addf %unpack3A, %unpack3A_159 : vector<16xf32>
          %eq3A = vector.broadcast %scan3A_119 : i32 to vector<16xi32>
          %eq3A_161 = arith.cmpi eq, %iota3A, %eq3A : vector<16xi32>
          %reduce_sum3A = arith.constant true
          %reduce_sum3A_162 = vector.broadcast %reduce_sum3A : i1 to vector<16xi1>
          %reduce_sum3A_163 = tpu.scan <sum>, %add3A_160 masked %reduce_sum3A_162 : vector<16xf32>, vector<16xi1> -> vector<16xf32>
          %reduce_sum3A_164 = vector.extract %reduce_sum3A_163[15] : f32 from vector<16xf32>
          %broadcast_in_dim3A_165 = vector.broadcast %reduce_sum3A_164 : f32 to vector<16xf32>
          %select_n3A = arith.select %eq3A_161, %broadcast_in_dim3A_165, %scan3A_120 : vector<16xi1>, vector<16xf32>
          scf.yield %select_n3A : vector<16xf32>
        }
        %scan3A_113 = arith.constant 16 : i32
        %mul3A_114 = arith.constant 80 : i32
        %mul3A_115 = arith.muli %mul3A_51, %mul3A_114 : i32
        %add3A_116 = arith.addi %mul3A_115, %mul3A_106 : i32
        %swap3A = arith.index_cast %add3A_116 : i32 to index
        %swap3A_117 = tpu.vector_load %arg9[%swap3A] {strides = array<i32>} : memref<10000xf32, #tpu.memory_space<vmem>>, vector<16xf32>,
        tpu.vector_store %arg9[%swap3A], %scan3A_112 {strides = array<i32>} : memref<10000xf32, #tpu.memory_space<vmem>>, vector<16xf32>,
        %scan3A_118 = arith.constant 0 : i32
        scf.yield %scan3A_118 : i32
      }
      %scan3A_68 = arith.constant 5 : i32
      %add3A_69 = arith.constant 2 : i32
      %add3A_70 = arith.addi %mul3A_51, %add3A_69 : i32
      %mul3A_71 = arith.constant 80 : i32
      %mul3A_72 = arith.muli %add3A_70, %mul3A_71 : i32
      %dma_start3A_73 = tpu.memref_slice %arg7[%mul3A_72] : memref<10000xi32, #tpu.memory_space<vmem>> -> memref<80xi32, #tpu.memory_space<vmem>>
      %dma_start3A_74 = arith.constant 0 : i32
      %dma_start3A_75 = arith.constant 0 : i32
      %dma_start3A_76 = tpu.memref_slice %arg6[%dma_start3A_74, %dma_start3A_75] : memref<10000x64xi32, #tpu.memory_space<vmem_shared>> -> memref<10000x64xi32, #tpu.memory_space<vmem_shared>>
      tpu.enqueue_indirect_dma source(%dma_start3A_76 : memref<10000x64xi32, #tpu.memory_space<vmem_shared>>) target(%arg10 : memref<80x64xi32, #tpu.memory_space<vmem>>) offsets(%dma_start3A_73 : memref<80xi32, #tpu.memory_space<vmem>>) semaphore(%arg14 : memref<!tpu.dma_semaphore, #tpu.memory_space<semaphore_mem>>)
      %dma_start3A_77 = tpu.memref_slice %arg8[%mul3A_72] : memref<10000xi32, #tpu.memory_space<vmem>> -> memref<80xi32, #tpu.memory_space<vmem>>
      %dma_start3A_78 = arith.constant 0 : i32
      %dma_start3A_79 = arith.constant 0 : i32
      %dma_start3A_80 = tpu.memref_slice %arg6[%dma_start3A_78, %dma_start3A_79] : memref<10000x64xi32, #tpu.memory_space<vmem_shared>> -> memref<10000x64xi32, #tpu.memory_space<vmem_shared>>
      tpu.enqueue_indirect_dma source(%dma_start3A_80 : memref<10000x64xi32, #tpu.memory_space<vmem_shared>>) target(%arg11 : memref<80x64xi32, #tpu.memory_space<vmem>>) offsets(%dma_start3A_77 : memref<80xi32, #tpu.memory_space<vmem>>) semaphore(%arg15 : memref<!tpu.dma_semaphore, #tpu.memory_space<semaphore_mem>>)
      %dma_wait3A_81 = arith.constant 0 : i32
      %dma_wait3A_82 = tpu.memref_slice %arg7[%dma_wait3A_81] : memref<10000xi32, #tpu.memory_space<vmem>> -> memref<80xi32, #tpu.memory_space<vmem>>
      %dma_wait3A_83 = arith.constant 0 : i32
      %dma_wait3A_84 = arith.constant 0 : i32
      %dma_wait3A_85 = tpu.memref_slice %arg6[%dma_wait3A_83, %dma_wait3A_84] : memref<10000x64xi32, #tpu.memory_space<vmem_shared>> -> memref<10000x64xi32, #tpu.memory_space<vmem_shared>>
      tpu.wait_indirect_dma semaphore(%arg16 : memref<!tpu.dma_semaphore, #tpu.memory_space<semaphore_mem>>) src(%dma_wait3A_85 : memref<10000x64xi32, #tpu.memory_space<vmem_shared>>) dst(%arg12 : memref<80x64xi32, #tpu.memory_space<vmem>>)
      %dma_wait3A_86 = arith.constant 0 : i32
      %dma_wait3A_87 = tpu.memref_slice %arg8[%dma_wait3A_86] : memref<10000xi32, #tpu.memory_space<vmem>> -> memref<80xi32, #tpu.memory_space<vmem>>
      %dma_wait3A_88 = arith.constant 0 : i32
      %dma_wait3A_89 = arith.constant 0 : i32
      %dma_wait3A_90 = tpu.memref_slice %arg6[%dma_wait3A_88, %dma_wait3A_89] : memref<10000x64xi32, #tpu.memory_space<vmem_shared>> -> memref<10000x64xi32, #tpu.memory_space<vmem_shared>>
      tpu.wait_indirect_dma semaphore(%arg17 : memref<!tpu.dma_semaphore, #tpu.memory_space<semaphore_mem>>) src(%dma_wait3A_90 : memref<10000x64xi32, #tpu.memory_space<vmem_shared>>) dst(%arg13 : memref<80x64xi32, #tpu.memory_space<vmem>>)
      %add3A_91 = arith.constant 1 : i32
      %add3A_92 = arith.addi %mul3A_51, %add3A_91 : i32
      %scan3A_93 = arith.constant 0 : i32
      %scan3A_94 = arith.constant 0 : i32
      %scan3A_95 = arith.constant 5 : i32
      %scan3A_96 = arith.addi %scan3A_94, %scan3A_95 : i32
      %scan3A_97 = arith.constant 1 : i32
      %scan3A_98 = scf.for %scan3A_103 = %scan3A_94 to %scan3A_96 step %scan3A_97 iter_args(%scan3A_104 = %scan3A_93) -> (i32)  : i32 {
        %mul3A_105 = arith.constant 16 : i32
        %mul3A_106 = arith.muli %scan3A_103, %mul3A_105 : i32
        %broadcast_in_dim3A = arith.constant 0.000000e+00 : f32
        %broadcast_in_dim3A_107 = vector.broadcast %broadcast_in_dim3A : f32 to vector<16xf32>
        %scan3A_108 = arith.constant 0 : i32
        %scan3A_109 = arith.constant 16 : i32
        %scan3A_110 = arith.addi %scan3A_108, %scan3A_109 : i32
        %scan3A_111 = arith.constant 1 : i32
        %scan3A_112 = scf.for %scan3A_119 = %scan3A_108 to %scan3A_110 step %scan3A_111 iter_args(%scan3A_120 = %broadcast_in_dim3A_107) -> (vector<16xf32>)  : i32 {
          %add3A_121 = arith.addi %mul3A_106, %scan3A_119 : i32
          %get3A = arith.index_cast %add3A_121 : i32 to index
          %get3A_122 = arith.constant 0 : index
          %get3A_123 = tpu.vector_load %arg12[%get3A, %get3A_122] {strides = array<i32>} : memref<80x64xi32, #tpu.memory_space<vmem>>, vector<16xi32>,
          %bitcast3A = vector.bitcast %get3A_123 : vector<16xi32> to vector<32xbf16>
          %get3A_124 = arith.index_cast %add3A_121 : i32 to index
          %get3A_125 = arith.constant 0 : index
          %get3A_126 = tpu.vector_load %arg13[%get3A_124, %get3A_125] {strides = array<i32>} : memref<80x64xi32, #tpu.memory_space<vmem>>, vector<16xi32>,
          %bitcast3A_127 = vector.bitcast %get3A_126 : vector<16xi32> to vector<32xbf16>
          %mul3A_128 = arith.mulf %bitcast3A, %bitcast3A_127 : vector<32xbf16>
          %get3A_129 = arith.index_cast %add3A_121 : i32 to index
          %get3A_130 = arith.constant 16 : index
          %get3A_131 = tpu.vector_load %arg12[%get3A_129, %get3A_130] {strides = array<i32>} : memref<80x64xi32, #tpu.memory_space<vmem>>, vector<16xi32>,
          %bitcast3A_132 = vector.bitcast %get3A_131 : vector<16xi32> to vector<32xbf16>
          %get3A_133 = arith.index_cast %add3A_121 : i32 to index
          %get3A_134 = arith.constant 16 : index
          %get3A_135 = tpu.vector_load %arg13[%get3A_133, %get3A_134] {strides = array<i32>} : memref<80x64xi32, #tpu.memory_space<vmem>>, vector<16xi32>,
          %bitcast3A_136 = vector.bitcast %get3A_135 : vector<16xi32> to vector<32xbf16>
          %mul3A_137 = arith.mulf %bitcast3A_132, %bitcast3A_136 : vector<32xbf16>
          %get3A_138 = arith.index_cast %add3A_121 : i32 to index
          %get3A_139 = arith.constant 32 : index
          %get3A_140 = tpu.vector_load %arg12[%get3A_138, %get3A_139] {strides = array<i32>} : memref<80x64xi32, #tpu.memory_space<vmem>>, vector<16xi32>,
          %bitcast3A_141 = vector.bitcast %get3A_140 : vector<16xi32> to vector<32xbf16>
          %get3A_142 = arith.index_cast %add3A_121 : i32 to index
          %get3A_143 = arith.constant 32 : index
          %get3A_144 = tpu.vector_load %arg13[%get3A_142, %get3A_143] {strides = array<i32>} : memref<80x64xi32, #tpu.memory_space<vmem>>, vector<16xi32>,
          %bitcast3A_145 = vector.bitcast %get3A_144 : vector<16xi32> to vector<32xbf16>
          %mul3A_146 = arith.mulf %bitcast3A_141, %bitcast3A_145 : vector<32xbf16>
          %get3A_147 = arith.index_cast %add3A_121 : i32 to index
          %get3A_148 = arith.constant 48 : index
          %get3A_149 = tpu.vector_load %arg12[%get3A_147, %get3A_148] {strides = array<i32>} : memref<80x64xi32, #tpu.memory_space<vmem>>, vector<16xi32>,
          %bitcast3A_150 = vector.bitcast %get3A_149 : vector<16xi32> to vector<32xbf16>
          %get3A_151 = arith.index_cast %add3A_121 : i32 to index
          %get3A_152 = arith.constant 48 : index
          %get3A_153 = tpu.vector_load %arg13[%get3A_151, %get3A_152] {strides = array<i32>} : memref<80x64xi32, #tpu.memory_space<vmem>>, vector<16xi32>,
          %bitcast3A_154 = vector.bitcast %get3A_153 : vector<16xi32> to vector<32xbf16>
          %mul3A_155 = arith.mulf %bitcast3A_150, %bitcast3A_154 : vector<32xbf16>
          %add3A_156 = arith.addf %mul3A_128, %mul3A_137 : vector<32xbf16>
          %add3A_157 = arith.addf %mul3A_146, %mul3A_155 : vector<32xbf16>
          %add3A_158 = arith.addf %add3A_156, %add3A_157 : vector<32xbf16>
          %unpack3A = tpu.unpack_subelements %add3A_158, 0 {pack_format = #tpu.pack_format<interleaved>} : vector<32xbf16> -> vector<16xf32>
          %unpack3A_159 = tpu.unpack_subelements %add3A_158, 1 {pack_format = #tpu.pack_format<interleaved>} : vector<32xbf16> -> vector<16xf32>
          %add3A_160 = arith.addf %unpack3A, %unpack3A_159 : vector<16xf32>
          %eq3A = vector.broadcast %scan3A_119 : i32 to vector<16xi32>
          %eq3A_161 = arith.cmpi eq, %iota3A, %eq3A : vector<16xi32>
          %reduce_sum3A = arith.constant true
          %reduce_sum3A_162 = vector.broadcast %reduce_sum3A : i1 to vector<16xi1>
          %reduce_sum3A_163 = tpu.scan <sum>, %add3A_160 masked %reduce_sum3A_162 : vector<16xf32>, vector<16xi1> -> vector<16xf32>
          %reduce_sum3A_164 = vector.extract %reduce_sum3A_163[15] : f32 from vector<16xf32>
          %broadcast_in_dim3A_165 = vector.broadcast %reduce_sum3A_164 : f32 to vector<16xf32>
          %select_n3A = arith.select %eq3A_161, %broadcast_in_dim3A_165, %scan3A_120 : vector<16xi1>, vector<16xf32>
          scf.yield %select_n3A : vector<16xf32>
        }
        %scan3A_113 = arith.constant 16 : i32
        %mul3A_114 = arith.constant 80 : i32
        %mul3A_115 = arith.muli %add3A_92, %mul3A_114 : i32
        %add3A_116 = arith.addi %mul3A_115, %mul3A_106 : i32
        %swap3A = arith.index_cast %add3A_116 : i32 to index
        %swap3A_117 = tpu.vector_load %arg9[%swap3A] {strides = array<i32>} : memref<10000xf32, #tpu.memory_space<vmem>>, vector<16xf32>,
        tpu.vector_store %arg9[%swap3A], %scan3A_112 {strides = array<i32>} : memref<10000xf32, #tpu.memory_space<vmem>>, vector<16xf32>,
        %scan3A_118 = arith.constant 0 : i32
        scf.yield %scan3A_118 : i32
      }
      %scan3A_99 = arith.constant 5 : i32
      %lt3A = arith.constant 61 : i32
      %lt3A_100 = arith.cmpi slt, %scan3A_48, %lt3A : i32
      %convert_element_type3A = arith.extui %lt3A_100 : i1 to i32
      %cond3A = arith.constant 0 : i32
      %cond3A_101 = arith.cmpi ne, %convert_element_type3A, %cond3A : i32
      scf.if %cond3A_101 {
        %add3A_103 = arith.constant 3 : i32
        %add3A_104 = arith.addi %mul3A_51, %add3A_103 : i32
        %mul3A_105 = arith.constant 80 : i32
        %mul3A_106 = arith.muli %add3A_104, %mul3A_105 : i32
        %dma_start3A_107 = tpu.memref_slice %arg7[%mul3A_106] : memref<10000xi32, #tpu.memory_space<vmem>> -> memref<80xi32, #tpu.memory_space<vmem>>
        %dma_start3A_108 = arith.constant 0 : i32
        %dma_start3A_109 = arith.constant 0 : i32
        %dma_start3A_110 = tpu.memref_slice %arg6[%dma_start3A_108, %dma_start3A_109] : memref<10000x64xi32, #tpu.memory_space<vmem_shared>> -> memref<10000x64xi32, #tpu.memory_space<vmem_shared>>
        tpu.enqueue_indirect_dma source(%dma_start3A_110 : memref<10000x64xi32, #tpu.memory_space<vmem_shared>>) target(%arg12 : memref<80x64xi32, #tpu.memory_space<vmem>>) offsets(%dma_start3A_107 : memref<80xi32, #tpu.memory_space<vmem>>) semaphore(%arg16 : memref<!tpu.dma_semaphore, #tpu.memory_space<semaphore_mem>>)
        %dma_start3A_111 = tpu.memref_slice %arg8[%mul3A_106] : memref<10000xi32, #tpu.memory_space<vmem>> -> memref<80xi32, #tpu.memory_space<vmem>>
        %dma_start3A_112 = arith.constant 0 : i32
        %dma_start3A_113 = arith.constant 0 : i32
        %dma_start3A_114 = tpu.memref_slice %arg6[%dma_start3A_112, %dma_start3A_113] : memref<10000x64xi32, #tpu.memory_space<vmem_shared>> -> memref<10000x64xi32, #tpu.memory_space<vmem_shared>>
        tpu.enqueue_indirect_dma source(%dma_start3A_114 : memref<10000x64xi32, #tpu.memory_space<vmem_shared>>) target(%arg13 : memref<80x64xi32, #tpu.memory_space<vmem>>) offsets(%dma_start3A_111 : memref<80xi32, #tpu.memory_space<vmem>>) semaphore(%arg17 : memref<!tpu.dma_semaphore, #tpu.memory_space<semaphore_mem>>)
      } else {
      }
      %scan3A_102 = arith.constant 0 : i32
      scf.yield %scan3A_102 : i32
    }
    %scan3A_31 = arith.constant 62 : i32
    %dma_wait3A = arith.constant 0 : i32
    %dma_wait3A_32 = tpu.memref_slice %arg7[%dma_wait3A] : memref<10000xi32, #tpu.memory_space<vmem>> -> memref<80xi32, #tpu.memory_space<vmem>>
    %dma_wait3A_33 = arith.constant 0 : i32
    %dma_wait3A_34 = arith.constant 0 : i32
    %dma_wait3A_35 = tpu.memref_slice %arg6[%dma_wait3A_33, %dma_wait3A_34] : memref<10000x64xi32, #tpu.memory_space<vmem_shared>> -> memref<10000x64xi32, #tpu.memory_space<vmem_shared>>
    tpu.wait_indirect_dma semaphore(%arg14 : memref<!tpu.dma_semaphore, #tpu.memory_space<semaphore_mem>>) src(%dma_wait3A_35 : memref<10000x64xi32, #tpu.memory_space<vmem_shared>>) dst(%arg10 : memref<80x64xi32, #tpu.memory_space<vmem>>)
    %dma_wait3A_36 = arith.constant 0 : i32
    %dma_wait3A_37 = tpu.memref_slice %arg8[%dma_wait3A_36] : memref<10000xi32, #tpu.memory_space<vmem>> -> memref<80xi32, #tpu.memory_space<vmem>>
    %dma_wait3A_38 = arith.constant 0 : i32
    %dma_wait3A_39 = arith.constant 0 : i32
    %dma_wait3A_40 = tpu.memref_slice %arg6[%dma_wait3A_38, %dma_wait3A_39] : memref<10000x64xi32, #tpu.memory_space<vmem_shared>> -> memref<10000x64xi32, #tpu.memory_space<vmem_shared>>
    tpu.wait_indirect_dma semaphore(%arg15 : memref<!tpu.dma_semaphore, #tpu.memory_space<semaphore_mem>>) src(%dma_wait3A_40 : memref<10000x64xi32, #tpu.memory_space<vmem_shared>>) dst(%arg11 : memref<80x64xi32, #tpu.memory_space<vmem>>)
    %scan3A_41 = arith.constant 0 : i32
    %scan3A_42 = arith.constant 0 : i32
    %scan3A_43 = arith.constant 5 : i32
    %scan3A_44 = arith.addi %scan3A_42, %scan3A_43 : i32
    %scan3A_45 = arith.constant 1 : i32
    %scan3A_46 = scf.for %scan3A_48 = %scan3A_42 to %scan3A_44 step %scan3A_45 iter_args(%scan3A_49 = %scan3A_41) -> (i32)  : i32 {
      %mul3A_50 = arith.constant 16 : i32
      %mul3A_51 = arith.muli %scan3A_48, %mul3A_50 : i32
      %broadcast_in_dim3A = arith.constant 0.000000e+00 : f32
      %broadcast_in_dim3A_52 = vector.broadcast %broadcast_in_dim3A : f32 to vector<16xf32>
      %scan3A_53 = arith.constant 0 : i32
      %scan3A_54 = arith.constant 16 : i32
      %scan3A_55 = arith.addi %scan3A_53, %scan3A_54 : i32
      %scan3A_56 = arith.constant 1 : i32
      %scan3A_57 = scf.for %scan3A_63 = %scan3A_53 to %scan3A_55 step %scan3A_56 iter_args(%scan3A_64 = %broadcast_in_dim3A_52) -> (vector<16xf32>)  : i32 {
        %add3A_65 = arith.addi %mul3A_51, %scan3A_63 : i32
        %get3A = arith.index_cast %add3A_65 : i32 to index
        %get3A_66 = arith.constant 0 : index
        %get3A_67 = tpu.vector_load %arg10[%get3A, %get3A_66] {strides = array<i32>} : memref<80x64xi32, #tpu.memory_space<vmem>>, vector<16xi32>,
        %bitcast3A = vector.bitcast %get3A_67 : vector<16xi32> to vector<32xbf16>
        %get3A_68 = arith.index_cast %add3A_65 : i32 to index
        %get3A_69 = arith.constant 0 : index
        %get3A_70 = tpu.vector_load %arg11[%get3A_68, %get3A_69] {strides = array<i32>} : memref<80x64xi32, #tpu.memory_space<vmem>>, vector<16xi32>,
        %bitcast3A_71 = vector.bitcast %get3A_70 : vector<16xi32> to vector<32xbf16>
        %mul3A_72 = arith.mulf %bitcast3A, %bitcast3A_71 : vector<32xbf16>
        %get3A_73 = arith.index_cast %add3A_65 : i32 to index
        %get3A_74 = arith.constant 16 : index
        %get3A_75 = tpu.vector_load %arg10[%get3A_73, %get3A_74] {strides = array<i32>} : memref<80x64xi32, #tpu.memory_space<vmem>>, vector<16xi32>,
        %bitcast3A_76 = vector.bitcast %get3A_75 : vector<16xi32> to vector<32xbf16>
        %get3A_77 = arith.index_cast %add3A_65 : i32 to index
        %get3A_78 = arith.constant 16 : index
        %get3A_79 = tpu.vector_load %arg11[%get3A_77, %get3A_78] {strides = array<i32>} : memref<80x64xi32, #tpu.memory_space<vmem>>, vector<16xi32>,
        %bitcast3A_80 = vector.bitcast %get3A_79 : vector<16xi32> to vector<32xbf16>
        %mul3A_81 = arith.mulf %bitcast3A_76, %bitcast3A_80 : vector<32xbf16>
        %get3A_82 = arith.index_cast %add3A_65 : i32 to index
        %get3A_83 = arith.constant 32 : index
        %get3A_84 = tpu.vector_load %arg10[%get3A_82, %get3A_83] {strides = array<i32>} : memref<80x64xi32, #tpu.memory_space<vmem>>, vector<16xi32>,
        %bitcast3A_85 = vector.bitcast %get3A_84 : vector<16xi32> to vector<32xbf16>
        %get3A_86 = arith.index_cast %add3A_65 : i32 to index
        %get3A_87 = arith.constant 32 : index
        %get3A_88 = tpu.vector_load %arg11[%get3A_86, %get3A_87] {strides = array<i32>} : memref<80x64xi32, #tpu.memory_space<vmem>>, vector<16xi32>,
        %bitcast3A_89 = vector.bitcast %get3A_88 : vector<16xi32> to vector<32xbf16>
        %mul3A_90 = arith.mulf %bitcast3A_85, %bitcast3A_89 : vector<32xbf16>
        %get3A_91 = arith.index_cast %add3A_65 : i32 to index
        %get3A_92 = arith.constant 48 : index
        %get3A_93 = tpu.vector_load %arg10[%get3A_91, %get3A_92] {strides = array<i32>} : memref<80x64xi32, #tpu.memory_space<vmem>>, vector<16xi32>,
        %bitcast3A_94 = vector.bitcast %get3A_93 : vector<16xi32> to vector<32xbf16>
        %get3A_95 = arith.index_cast %add3A_65 : i32 to index
        %get3A_96 = arith.constant 48 : index
        %get3A_97 = tpu.vector_load %arg11[%get3A_95, %get3A_96] {strides = array<i32>} : memref<80x64xi32, #tpu.memory_space<vmem>>, vector<16xi32>,
        %bitcast3A_98 = vector.bitcast %get3A_97 : vector<16xi32> to vector<32xbf16>
        %mul3A_99 = arith.mulf %bitcast3A_94, %bitcast3A_98 : vector<32xbf16>
        %add3A_100 = arith.addf %mul3A_72, %mul3A_81 : vector<32xbf16>
        %add3A_101 = arith.addf %mul3A_90, %mul3A_99 : vector<32xbf16>
        %add3A_102 = arith.addf %add3A_100, %add3A_101 : vector<32xbf16>
        %unpack3A = tpu.unpack_subelements %add3A_102, 0 {pack_format = #tpu.pack_format<interleaved>} : vector<32xbf16> -> vector<16xf32>
        %unpack3A_103 = tpu.unpack_subelements %add3A_102, 1 {pack_format = #tpu.pack_format<interleaved>} : vector<32xbf16> -> vector<16xf32>
        %add3A_104 = arith.addf %unpack3A, %unpack3A_103 : vector<16xf32>
        %eq3A = vector.broadcast %scan3A_63 : i32 to vector<16xi32>
        %eq3A_105 = arith.cmpi eq, %iota3A, %eq3A : vector<16xi32>
        %reduce_sum3A = arith.constant true
        %reduce_sum3A_106 = vector.broadcast %reduce_sum3A : i1 to vector<16xi1>
        %reduce_sum3A_107 = tpu.scan <sum>, %add3A_104 masked %reduce_sum3A_106 : vector<16xf32>, vector<16xi1> -> vector<16xf32>
        %reduce_sum3A_108 = vector.extract %reduce_sum3A_107[15] : f32 from vector<16xf32>
        %broadcast_in_dim3A_109 = vector.broadcast %reduce_sum3A_108 : f32 to vector<16xf32>
        %select_n3A = arith.select %eq3A_105, %broadcast_in_dim3A_109, %scan3A_64 : vector<16xi1>, vector<16xf32>
        scf.yield %select_n3A : vector<16xf32>
      }
      %scan3A_58 = arith.constant 16 : i32
      %add3A_59 = arith.constant 9920 : i32
      %add3A_60 = arith.addi %add3A_59, %mul3A_51 : i32
      %swap3A = arith.index_cast %add3A_60 : i32 to index
      %swap3A_61 = tpu.vector_load %arg9[%swap3A] {strides = array<i32>} : memref<10000xf32, #tpu.memory_space<vmem>>, vector<16xf32>,
      tpu.vector_store %arg9[%swap3A], %scan3A_57 {strides = array<i32>} : memref<10000xf32, #tpu.memory_space<vmem>>, vector<16xf32>,
      %scan3A_62 = arith.constant 0 : i32
      scf.yield %scan3A_62 : i32
    }
    %scan3A_47 = arith.constant 5 : i32
    "tpu.region"() ({
      %run_scoped3A = tpu.sem_alloc : memref<!tpu.dma_semaphore, #tpu.memory_space<semaphore_mem>>
      %dma_start3A_48 = tpu.memref_slice %arg5[%mul3A_2] : memref<320000xf32, #tpu.memory_space<hbm>> -> memref<10000xf32, #tpu.memory_space<hbm>>
      %dma_start3A_49 = tpu.memref_slice %arg5[%mul3A_2] : memref<320000xf32, #tpu.memory_space<hbm>> -> memref<10000xf32, #tpu.memory_space<hbm>>
      tpu.enqueue_dma source(%arg9 : memref<10000xf32, #tpu.memory_space<vmem>>) target(%dma_start3A_49 : memref<10000xf32, #tpu.memory_space<hbm>>) target_semaphore(%run_scoped3A : memref<!tpu.dma_semaphore, #tpu.memory_space<semaphore_mem>>)
      %dma_wait3A_50 = tpu.memref_slice %arg5[%mul3A_2] : memref<320000xf32, #tpu.memory_space<hbm>> -> memref<10000xf32, #tpu.memory_space<hbm>>
      %dma_wait3A_51 = tpu.memref_slice %arg5[%mul3A_2] : memref<320000xf32, #tpu.memory_space<hbm>> -> memref<10000xf32, #tpu.memory_space<hbm>>
      tpu.wait_dma2 semaphore(%run_scoped3A : memref<!tpu.dma_semaphore, #tpu.memory_space<semaphore_mem>>) src(%arg9 : memref<10000xf32, #tpu.memory_space<vmem>>) dst(%dma_wait3A_51 : memref<10000xf32, #tpu.memory_space<hbm>>)
      tpu.yield
    }) : () -> ()
    return
  }
}

</mosaic_0001>

<sc_bundles>
// kernel: kernel.3.cloned.1.call-start
scs
__scs_entry_jumppad:
0x0: {  	(pc) =	sbr.rel $0x88, $3  }
0x1: {  	(tag) =	ssettag $0x0;
	lr =	simm.s32 $0x1  }
0x2: {  	[smem:$0x3F9F] =	sst lr;
	_ =	strace $0xD0000000  }
0x3: {  	_ = 	snop  }
0x4: {  	_ = 	snop  }
0x5: {  	_ = 	snop  }
0x6: {  	_ = 	snop  }
0x7: {  	_ = 	snop  }
__scs_overlays_trampoline_lowered:
0x8: {  	[smem:$0x3FAE] =	sst s0  }
0x9: {  	[smem:$0x3FAF] =	sst s1  }
0xa: {  	[smem:$0x3FB0] =	sst s2  }
0xb: {  	[smem:$0x3FB1] =	sst s3  }
0xc: {  	[smem:$0x3FB2] =	sst s4  }
0xd: {  	[smem:$0x3FB3] =	sst s5  }
0xe: {  	[smem:$0x3FB4] =	sst s6  }
0xf: {  	[smem:$0x3FB5] =	sst s7  }
0x10: {  	[smem:$0x3FB6] =	sst s8  }
0x11: {  	[smem:$0x3FB7] =	sst s9;
	s0 =	simm.s32 @!p0 $0x0  }
0x12: {  	s1 =	sld [smem:$0x3F9D];
	s0 =	simm.s32 @p0 $0x1  }
0x13: {  	[smem:$0x3FB8] =	sst s0;
	s0 =	simm.s32 @!p1 $0x0  }
0x14: {  	s2 =	sld [smem:$0x3F9C];
	s0 =	simm.s32 @p1 $0x1  }
0x15: {  	[smem:$0x3FB9] =	sst s0;
	s0 =	simm.s32 @!p2 $0x0  }
0x16: {  	s3 =	sld [smem:$0x3FDB];
	s0 =	simm.s32 @p2 $0x1  }
0x17: {  	s4 =	simm.s32 $0x1BF5;
	[smem:$0x3FBB] =	sst s0  }
0x18: {  	s0 =	sld [smem:$0x3F9E];
	_ =	swait.ge [sflag:s4], $0x0  }
0x19: {  	s7 =	sld [smem:$0x3F9F]  }
0x1a: {  	s8 =	sadd.s32 $0xFFFFE003, lr  }
0x1b: {  	s9 =	sadd.s32 $0xFFFFFEF7, lr;
	s5 =	simm.s32 $0xFFFFFFFF;
	p2 =	slt.u32 s8, $0xFFFFF086  }
0x1c: {  	p1 =	slt.u32 s9, $0xF7A;
	s5 =	simm.s32 @!p2 $0x0  }
0x1d: {  	s5 =	simm.s32 @p1 $0x1;
	p0 =	seq.s32 s7, s2  }
0x1e: {  	s7 =	smul.u32 @!p0 $0xF7A, s2;
	p2 =	seq.s32 @!p0 s5, $0x0  }
0x1f: {  	s9 =	smul.u32 $0xF7A, s1;
	s8 =	simm.s32 @!p0 $0x1BF5;
	p2 =	por !p2, p0  }
0x20: {  	[sflag:s8] =	ssyncset.s32 @!p0 $0xFFFFF086;
	s6 =	sadd.s32 @!p0 s3, s7;
	s7 =	simm.s32 @!p0 $0x108  }
0x21: {  	s3 =	sadd.s32 s3, s9;
	s6 =	sadd.s32 @!p0 $0x88, s6;
	s7 =	simm.s32 @p2 $0x1082  }
0x22: {  	[simem:s7], [sflag:s8] =	dma.local @!p0 [hbm:s6], $0xF7A  }
0x23: {  	s9 =	sor.u32 $0xD0000000, s2;
	s6 =	simm.s32 $0x108;
	_ =	swait.ge @!p0 [sflag:s8], $0x0  }
0x24: {  	s3 =	sadd.s32 $0x88, s3;
	s6 =	simm.s32 @!p1 $0x1082;
	[sflag:s4] =	ssyncset.s32 $0xFFFFF086  }
0x25: {  	[simem:s6], [sflag:s4] =	dma.local [hbm:s3], $0xF7A  }
0x26: {  	[smem:$0x3F9F] =	sst s1;
	(tag) =	ssettag s2;
	_ =	strace s9  }
0x27: {  	s1 =	sld [smem:$0x3FAF]  }
0x28: {  	s2 =	sld [smem:$0x3FB0]  }
0x29: {  	s4 =	sld [smem:$0x3FB2]  }
0x2a: {  	p0 =	seq.s32 s5, $0x0;
	s5 =	sld [smem:$0x3FB3]  }
0x2b: {  	s6 =	sld [smem:$0x3FB4]  }
0x2c: {  	s7 =	sld [smem:$0x3FB5]  }
0x2d: {  	s3 =	simm.s32 $0x108;
	s8 =	sld [smem:$0x3FB6]  }
0x2e: {  	s3 =	simm.s32 @!p0 $0x1082;
	s9 =	sld [smem:$0x3FB7]  }
0x2f: {  	lr =	sadd.s32 s0, s3;
	s0 =	sld [smem:$0x3FAE]  }
0x30: {  	s3 =	sld [smem:$0x3FB1]  }
0x31: {  	[smem:$0x3FBA] =	sst s10  }
0x32: {  	s10 =	sld [smem:$0x3FB8];
	_ =	sdelay $0x3  }
0x33: {  	p0 =	seq.s32 s10, $0x1;
	s10 =	sld [smem:$0x3FBA];
	_ =	sdelay $0x3  }
0x34: {  	[smem:$0x3FBA] =	sst s10  }
0x35: {  	s10 =	sld [smem:$0x3FB9];
	_ =	sdelay $0x3  }
0x36: {  	p1 =	seq.s32 s10, $0x1;
	s10 =	sld [smem:$0x3FBA];
	_ =	sdelay $0x3  }
0x37: {  	[smem:$0x3FBA] =	sst s10  }
0x38: {  	s10 =	sld [smem:$0x3FBB]  }
0x39: {  	_ = 	snop;
	(pc) =	sbr.ind lr, $3  }
0x3a: {  	_ = 	snop  }
0x3b: {  	_ = 	snop  }
0x3c: {  	p2 =	seq.s32 s10, $0x1;
	s10 =	sld [smem:$0x3FBA]  }
0x3d: {  	_ =	shalt  }
0x3e: {  	_ =	shalt  }
0x3f: {  	_ =	shalt  }
0x40: {  	_ =	shalt  }
0x41: {  	_ =	shalt  }
0x42: {  	_ =	shalt  }
0x43: {  	_ =	shalt  }
0x44: {  	_ =	shalt  }
0x45: {  	_ =	shalt  }
0x46: {  	_ =	shalt  }
0x47: {  	_ =	shalt  }
0x48: {  	_ =	shalt  }
0x49: {  	_ =	shalt  }
0x4a: {  	_ =	shalt  }
0x4b: {  	_ =	shalt  }
0x4c: {  	_ =	shalt  }
0x4d: {  	_ =	shalt  }
0x4e: {  	_ =	shalt  }
0x4f: {  	_ =	shalt  }
0x50: {  	_ =	shalt  }
0x51: {  	_ =	shalt  }
0x52: {  	_ =	shalt  }
0x53: {  	_ =	shalt  }
0x54: {  	_ =	shalt  }
0x55: {  	_ =	shalt  }
0x56: {  	_ =	shalt  }
0x57: {  	_ =	shalt  }
0x58: {  	_ =	shalt  }
0x59: {  	_ =	shalt  }
0x5a: {  	_ =	shalt  }
0x5b: {  	_ =	shalt  }
0x5c: {  	_ =	shalt  }
0x5d: {  	_ =	shalt  }
0x5e: {  	_ =	shalt  }
0x5f: {  	_ =	shalt  }
0x60: {  	_ =	shalt  }
0x61: {  	_ =	shalt  }
0x62: {  	_ =	shalt  }
0x63: {  	_ =	shalt  }
0x64: {  	_ =	shalt  }
0x65: {  	_ =	shalt  }
0x66: {  	_ =	shalt  }
0x67: {  	_ =	shalt  }
0x68: {  	_ =	shalt  }
0x69: {  	_ =	shalt  }
0x6a: {  	_ =	shalt  }
0x6b: {  	_ =	shalt  }
0x6c: {  	_ =	shalt  }
0x6d: {  	_ =	shalt  }
0x6e: {  	_ =	shalt  }
0x6f: {  	_ =	shalt  }
0x70: {  	_ =	shalt  }
0x71: {  	_ =	shalt  }
0x72: {  	_ =	shalt  }
0x73: {  	_ =	shalt  }
0x74: {  	_ =	shalt  }
0x75: {  	_ =	shalt  }
0x76: {  	_ =	shalt  }
0x77: {  	_ =	shalt  }
0x78: {  	_ =	shalt  }
0x79: {  	_ =	shalt  }
0x7a: {  	_ =	shalt  }
0x7b: {  	_ =	shalt  }
0x7c: {  	_ =	shalt  }
0x7d: {  	_ =	shalt  }
0x7e: {  	_ =	shalt  }
0x7f: {  	_ =	shalt  }
0x80: {  	_ =	shalt  }
0x81: {  	_ =	shalt  }
0x82: {  	_ =	shalt  }
0x83: {  	_ =	shalt  }
0x84: {  	_ =	shalt  }
0x85: {  	_ =	shalt  }
0x86: {  	_ =	shalt  }
0x87: {  	_ =	shalt  }
.Lfunc_end0:
.L_simem_size_0:
called_computation_lowered:
.L_overlay_start_0:
0x88: {  	s2 =	sld [smem:$0x3FD9]  }
0x89: {  	s3 =	sld [smem:$0x3FFE];
	_ =	sdelay $0x1  }
0x8a: {  	s1 =	srdreg.scid  }
0x8b: {  	s0 =	sand.u32 $0x1, s1  }
0x8c: {  	s17 =	sshll.u32 s0, $0xA;
	s2 =	sadd.s32 s3, s2  }
0x8d: {  	s2 =	sadd.s32 s2, s17  }
0x8e: {  	[smem:$0x3FC6] =	sst s2  }
0x8f: {  	_ = 	snop  }
0x90: {  	s2 =	sld [smem:$0x3FD0];
	(tm) =	ssettm $0x1  }
0x91: {  	s18 =	sld [smem:$0x3FFB];
	_ =	sdelay $0x3  }
0x92: {  	_ =	strace s18  }
0x93: {  	s3 =	sld [smem:$0x3FFC];
	_ =	sdelay $0x3  }
0x94: {  	_ =	strace s3  }
0x95: {  	s3 =	sld [smem:$0x3FFD];
	_ =	sdelay $0x3  }
0x96: {  	_ =	strace s3  }
0x97: {  	_ =	strace $0x8FFFFFFF  }
0x98: {  	s19 =	sld [smem:$0x3FDB];
	_ =	sdelay $0x1  }
0x99: {  	s4 =	simm.s32 $_scs_section_size  }
0x9a: {  	s5 =	simm.s32 $_size__tile_overlayer_lowered;
	s6 =	simm.s32 $_tile_overlayer_lowered  }
0x9b: {  	s22 =	simm.s32 $0x1BFF;
	s21 =	sshll.u32 s6, $0x1;
	s3 =	sadd.s32 s4, s19  }
0x9c: {  	s7 =	simm.s32 $0x0;
	s20 =	sshll.u32 s5, $0x1;
	s5 =	sadd.s32 s21, s3  }
0x9d: {  	[timem:s7], [sflag:s22] =	dma.local [hbm:s5], s20  }
0x9e: {  	_ =	swait.ge [sflag:s22], s20  }
0x9f: {  	s4 =	ssub.s32 $0x0, s20;
	[sflag:s22] =	ssyncset.done $0x0  }
0xa0: {  	[sflag:s22] =	ssyncadd.s32 s4;
	_ =	sdelay $0x1  }
0xa1: {  	s23 =	simm.s32 $0x1B8B  }
0xa2: {  	_ =	swait.ge [sflag:s23], $0x1  }
0xa3: {  	[sflag:s23] =	ssyncset.done $0x0  }
0xa4: {  	s25 =	simm.s32 $0x1B8E;
	s24 =	sld [smem:$0x3FFE];
	[sflag:s23] =	ssyncadd.s32 $0xFFFFFFFF  }
0xa5: {  	s26 =	simm.s32 $execute0_lowered;
	[smem:$0x3FD2] =	sst s25  }
0xa6: {  	s5 =	sshll.u32 s26, $0x1;
	_ =	strace $0x80000046;
	[dreg:$0x1] =	wrdreg $0xFFFFFFFF  }
0xa7: {  	s28 =	simm.s32 $_size_execute0_lowered;
	s3 =	sadd.s32 s3, s5;
	[dreg:$0x0] =	wrdreg $0x0  }
0xa8: {  	s5 =	sshll.u32 s28, $0x1;
	[dreg:$0x2] =	wrdreg s3  }
0xa9: {  	[dreg:$0x3] =	wrdreg s5  }
0xaa: {  	[dreg:$0x4] =	wrdreg $0xC0  }
0xab: {  	_ =	task [dreg:s7], $0x5FFFF  }
0xac: {  	[dreg:$0x1] =	wrdreg $0xFFFFFFFF  }
0xad: {  	[dreg:$0x0] =	wrdreg $0x60  }
0xae: {  	[dreg:$0x2] =	wrdreg s24  }
0xaf: {  	[dreg:$0x3] =	wrdreg s2  }
0xb0: {  	[dreg:$0x4] =	wrdreg $0x0  }
0xb1: {  	[dreg:$0x5] =	wrdreg $0x9  }
0xb2: {  	_ =	task.clear_ibuf [dreg:s7], $0x6FFFF;
	_ =	strace $0x90000046  }
0xb3: {  	s29 =	simm.s32 $0x9;
	_ =	strace $0x80000048  }
0xb4: {  	_ =	swait.ge [sflag:s29], $0x1  }
0xb5: {  	[sflag:s29] =	ssyncadd.s32 $0xFFFFFFFF  }
0xb6: {  	_ =	strace $0x90000048  }
0xb7: {  	_ =	sfence  }
0xb8: {  	s30 =	sld [smem:$0x0];
	_ =	sdelay $0x2  }
0xb9: {  	s31 =	sshll.u32 s1, $0xD;
	s1 =	sshrl.u32 s1, $0x2  }
0xba: {  	s3 =	sand.u32 $0x4000, s31;
	s1 =	sadd.s32 s1, s30  }
0xbb: {  	s0 =	sor.u32 s3, s0;
	s1 =	sshll.u32 s1, $0x11  }
0xbc: {  	s0 =	sor.u32 s1, s0  }
0xbd: {  	s0 =	sadd.s32 $0x8F2B, s0  }
0xbe: {  	[sflag:s0] =	ssyncadd.remote.s32 $0x1  }
0xbf: {  	_ =	sfence.sel $0xFFFF  }
0xc0: {  	[dreg:$0x0] =	wrdreg $0xFFFFFFFF;
	(pc) =	sbr.abs _section_cstart, $3  }
0xc1: {  	[dreg:$0x1] =	wrdreg $0xFFFFFFFF  }
0xc2: {  	_ =	task.clear_ibuf [dreg:s7], $0x2FFFF;
	_ =	strace $0x9FFFFFFF  }
0xc3: {  	(tm) =	ssettm $0x7FFFFFFF  }
tec
execute0_lowered:
.L_overlay_start_1:
0x0: {  	(tag) =	ssettag $0x1  }
0x1: {  	s0 =	rddreg [dreg:$0x0];
	s1 =	srdreg.scid  }
0x2: {  	s9 =	stileid.u32;
	s4 =	rddreg [dreg:$0x1]  }
0x3: {  	s2 =	rddreg [dreg:$0x2];
	s11 =	simm.s32 $0x5;
	s14 =	simm.s32 $0x50  }
0x4: {  	s15 =	simm.s32 $0x11170;
	s16 =	simm.s32 $0x12570;
	s18 =	simm.s32 $0x13970  }
0x5: {  	s20 =	simm.s32 $0x14D70;
	s21 =	simm.s32 $0x1;
	s22 =	simm.s32 $0x2  }
0x6: {  	s23 =	simm.s32 $0x3;
	s24 =	simm.s32 $0x4;
	s26 =	simm.s32 $0x0  }
0x7: {  	s1 =	sand.u32 $0x1, s1;
	s3 =	sshll.u32 s9, $0x1;
	s6 =	smul.u32 $0x9C40, s9  }
0x8: {  	s9 =	sshll.u32 s9, $0x6;
	s5 =	sor.u32 s1, s3;
	s3 =	simm.s32 $0x0  }
0x9: {  	s1 =	ssub.s32 $0x2, s1;
	s31 =	sor.u32 $0x1C05, s9;
	s5 =	smul.u32 $0x4E2, s5  }
0xa: {  	[smem:$0x7FF] =	sst s3;
	s8 =	sshrl.u32 s1, $0x1;
	s30 =	sshrl.u32 s6, $0x3  }
0xb: {  	s10 =	sadd.s32 s6, s2;
	_ =	strace $0x80000047;
	s1 =	ssub.s32 s1, s8  }
0xc: {  	[dreg:$0x5] =	wrdreg s31;
	s10 =	sshrl.u32 s10, $0x3;
	s7 =	sadd.s32 s5, s0  }
0xd: {  	s0 =	sadd.s32 s0, s30;
	s8 =	sadd.s32 s4, s5;
	s9 =	smax.u32 s1, $0x1  }
0xe: {  	v0 =	vlaneseq.u32;
	[dreg:$0x4] =	wrdreg s0;
	s6 =	sadd.s32 $0x1D800, s7;
	s7 =	sadd.s32 $0x13A00, s7  }
.LBB2_1:
0xf: {  	s0 =	rddreg [dreg:$0x4]  }
0x10: {  	s1 =	rddreg [dreg:$0x5]  }
0x11: {  	[spmem:s10], [sflag:s1] =	dma.local [hbm:s0], $0x1388  }
0x12: {  	_ =	swait.ge [sflag:s11], $0x1388  }
0x13: {  	[sflag:s11] =	ssyncset.done $0x0  }
0x14: {  	[sflag:s11] =	ssyncadd.s32 $0xFFFFEC78  }
0x15: {  	s25 =	simm.s32 $0x9C40;
	[bflag:$0x0] =	sbarrier.arrive $0xFFFF  }
0x16: {  	[tilespmem:s25], [sflag:$0x5] =	stream.linear.gather [hbm4b:s6+s3], $0x2710, $0x38;
	[tilespmem:$0x16170] =	vst v63  }
0x17: {  	_ =	swait.ge [sflag:s11], $0x2710  }
0x18: {  	[sflag:s11] =	ssyncset.done $0x0  }
0x19: {  	s29 =	simm.s32 $0xC350;
	[sflag:s11] =	ssyncadd.s32 $0xFFFFD8F0  }
0x1a: {  	[tilespmem:s29], [sflag:$0x5] =	stream.linear.gather [hbm4b:s7+s3], $0x2710, $0x38;
	[tilespmem:$0x16170] =	vst v63  }
0x1b: {  	_ =	swait.ge [sflag:s11], $0x2710  }
0x1c: {  	[sflag:s11] =	ssyncset.done $0x0  }
0x1d: {  	[sflag:s11] =	ssyncadd.s32 $0xFFFFD8F0  }
0x1e: {  	[tilespmem:s15], [sflag:$0x1] =	stream.indirect.gather [spmem:s2], $0x40, s25, s14, $0xb8;
	[tilespmem:$0x16170] =	vst v63  }
0x1f: {  	_ = 	snop  }
0x20: {  	[tilespmem:s16], [sflag:$0x2] =	stream.indirect.gather [spmem:s2], $0x40, s29, s14, $0xb8;
	[tilespmem:$0x16170] =	vst v63  }
0x21: {  	s30 =	simm.s32 $0x9C90  }
0x22: {  	[tilespmem:s18], [sflag:$0x3] =	stream.indirect.gather [spmem:s2], $0x40, s30, s14, $0xb8;
	[tilespmem:$0x16170] =	vst v63  }
0x23: {  	s31 =	simm.s32 $0xC3A0;
	s28 =	simm.s32 $0x0  }
0x24: {  	[tilespmem:s20], [sflag:$0x4] =	stream.indirect.gather [spmem:s2], $0x40, s31, s14, $0xb8;
	[tilespmem:$0x16170] =	vst v63  }
.LBB2_2:
0x25: {  	_ =	swait.ge [sflag:s21], $0x1400  }
0x26: {  	s0 =	smul.u32 $0x280, s28;
	[sflag:s21] =	ssyncset.done $0x0  }
0x27: {  	[sflag:s21] =	ssyncadd.s32 $0xFFFFEC00  }
0x28: {  	s30 =	sshra.s32 s0, $0x2;
	_ =	swait.ge [sflag:s22], $0x1400  }
0x29: {  	s29 =	simm.s32 $0x0;
	s0 =	sadd.s32 $0xEA60, s30;
	[sflag:s22] =	ssyncset.done $0x0  }
0x2a: {  	s31 =	simm.s32 $0x11190;
	s1 =	simm.s32 $0x12590;
	v1 =	vmov s0;
	[sflag:s22] =	ssyncadd.s32 $0xFFFFEC00  }
.LBB2_3:
0x2b: {  	v2 =	vld [tilespmem:s31+$0xFFFFFFE0]  }
0x2c: {  	v3 =	vld [tilespmem:s1+$0xFFFFFFE0]  }
0x2d: {  	v4 =	vld [tilespmem:s31+$0xFFFFFFF0]  }
0x2e: {  	v5 =	vld [tilespmem:s1+$0xFFFFFFF0]  }
0x2f: {  	v6 =	vld [tilespmem:s31+$0x0]  }
0x30: {  	v7 =	vld [tilespmem:s1+$0x0]  }
0x31: {  	v8 =	vld [tilespmem:s31+$0x10]  }
0x32: {  	v9 =	vld [tilespmem:s1+$0x10];
	s0 =	sadd.s32 $0x40, s31  }
0x33: {  	s4 =	sadd.s32 $0x40, s1;
	v10 =	vld [tilespmem:s0+$0xFFFFFFE0]  }
0x34: {  	v11 =	vld [tilespmem:s4+$0xFFFFFFE0]  }
0x35: {  	v12 =	vld [tilespmem:s0+$0xFFFFFFF0]  }
0x36: {  	v13 =	vld [tilespmem:s4+$0xFFFFFFF0];
	v2 =	vmul.bf16 v3, v2;
	v3 =	vmul.bf16 v5, v4  }
0x37: {  	v4 =	vld [tilespmem:s0+$0x0];
	v5 =	vmul.bf16 v7, v6;
	v6 =	vmul.bf16 v9, v8  }
0x38: {  	v7 =	vld [tilespmem:s4+$0x0]  }
0x39: {  	v8 =	vld [tilespmem:s0+$0x10];
	v2 =	vadd.bf16 v3, v2;
	v3 =	vadd.bf16 v6, v5  }
0x3a: {  	s0 =	sadd.s32 $0x40, s0;
	v5 =	vld [tilespmem:s4+$0x10]  }
0x3b: {  	v15 =	vld [tilespmem:s0+$0xFFFFFFF0];
	v2 =	vadd.bf16 v3, v2  }
0x3c: {  	v6 =	vld [tilespmem:s0+$0xFFFFFFE0];
	s4 =	sadd.s32 $0x40, s4  }
0x3d: {  	v14 =	vld [tilespmem:s4+$0xFFFFFFE0];
	v3 =	vunpack.i.u.bf16.f32 v2;
	v2 =	vunpack.i.l.bf16.f32 v2  }
0x3e: {  	v9 =	vmul.bf16 v13, v12;
	v16 =	vld [tilespmem:s4+$0xFFFFFFF0];
	v4 =	vmul.bf16 v7, v4;
	v2 =	vadd.f32 v2, v3  }
0x3f: {  	v3 =	vmul.bf16 v11, v10;
	v10 =	vld [tilespmem:s0+$0x0];
	v5 =	vmul.bf16 v5, v8  }
0x40: {  	v11 =	vld [tilespmem:s4+$0x10];
	(xrf2) =	vadd.scan.msk.f32 $0xffff, v2  }
0x41: {  	v2 =	vld [tilespmem:s0+$0x10];
	v3 =	vadd.bf16 v9, v3;
	v4 =	vadd.bf16 v5, v4  }
0x42: {  	s12 =	sadd.s32 $0x40, s4;
	v8 =	vld [tilespmem:s4+$0x0]  }
0x43: {  	v7 =	vld [tilespmem:s12+$0xFFFFFFE0];
	v4 =	vadd.bf16 v4, v3  }
0x44: {  	s5 =	sadd.s32 $0x40, s0;
	v14 =	vmul.bf16 v14, v6;
	v6 =	vld [tilespmem:s12+$0x0]  }
0x45: {  	v5 =	vld [tilespmem:s5+$0xFFFFFFE0];
	v12 =	vunpack.i.u.bf16.f32 v4;
	v13 =	vunpack.i.l.bf16.f32 v4  }
0x46: {  	v9 =	vld [tilespmem:s5+$0xFFFFFFF0];
	v12 =	vadd.f32 v13, v12;
	v11 =	vmul.bf16 v11, v2  }
0x47: {  	v15 =	vmul.bf16 v16, v15;
	v3 =	vld [tilespmem:s12+$0xFFFFFFF0];
	v10 =	vmul.bf16 v8, v10  }
0x48: {  	s25 =	simm.s32 $0x1;
	v8 =	vld [tilespmem:s5+$0x10];
	(xrf2) =	vadd.scan.msk.f32 $0xffff, v12  }
0x49: {  	s19 =	simm.s32 $0x2;
	s17 =	simm.s32 $0x3;
	s13 =	simm.s32 $0x0;
	v4 =	vld [tilespmem:s5+$0x0];
	v12 =	vadd.bf16 v15, v14;
	v13 =	vadd.bf16 v11, v10  }
0x4a: {  	s4 =	sadd.s32 $0x40, s5;
	s0 =	sshll.u32 s29, $0x4;
	s5 =	simm.s32 $0x4;
	v2 =	vimm.f32 $0.0e+00;
	v10 =	vld [tilespmem:s12+$0x10];
	v11, _, _ =	vpop (xrf2)  }
.LBB2_4:
0x4b: {  	v14 =	vld [tilespmem:s4+$0xFFFFFFE0];
	p0 =	sne.s32 s5, $0xF;
	s12 =	sadd.s32 $0x40, s12;
	v12 =	vadd.bf16 v13, v12;
	v13 =	vmov s13;
	v11 =	vbroadcast v11, $0xF;
	s13 =	smov.u32 s25  }
0x4c: {  	s25 =	smov.u32 s19;
	s19 =	smov.u32 s17;
	s17 =	smov.u32 s5;
	v15 =	vld [tilespmem:s12+$0xFFFFFFE0];
	vm0 =	veq.s32 v13, v0  }
0x4d: {  	v16 =	vld [tilespmem:s4+$0xFFFFFFF0];
	v13 =	vunpack.i.u.bf16.f32 v12;
	v12 =	vunpack.i.l.bf16.f32 v12;
	v2 =	vsel vm0, v11, v2  }
.Ltmp0:
0x4e: {  	v17 =	vmul.bf16 v7, v5;
	v9 =	vmul.bf16 v3, v9;
	v3 =	vld [tilespmem:s12+$0xFFFFFFF0];
	v12 =	vadd.f32 v12, v13;
	(pc) =	sbr.rel @p0 .LBB2_4-.Ltmp0, $4  }
0x4f: {  	v18 =	vmul.bf16 v6, v4;
	v4 =	vld [tilespmem:s4+$0x0];
	v10 =	vmul.bf16 v10, v8  }
0x50: {  	v6 =	vld [tilespmem:s12+$0x0];
	(xrf2) =	vadd.scan.msk.f32 $0xffff, v12;
	v5 =	vmov v14  }
0x51: {  	v12 =	vadd.bf16 v9, v17;
	v8 =	vld [tilespmem:s4+$0x10];
	v13 =	vadd.bf16 v10, v18;
	v7 =	vmov v15  }
0x52: {  	s5 =	sadd.s32 $0x1, s5;
	s4 =	sadd.s32 $0x40, s4;
	v10 =	vld [tilespmem:s12+$0x10];
	v11, _, _ =	vpop (xrf2);
	v9 =	vmov v16  }
0x53: {  	_ =	sdelay $0x2  }
0x54: {  	v5 =	vmul.bf16 v7, v5;
	v3 =	vmul.bf16 v3, v9  }
0x55: {  	v4 =	vmul.bf16 v6, v4;
	v55 =	vmul.bf16 v10, v8;
	_ =	sdelay $0x1  }
0x56: {  	v3 =	vadd.bf16 v3, v5;
	v4 =	vadd.bf16 v55, v4  }
0x57: {  	v56 =	vadd.bf16 v13, v12  }
0x58: {  	v3 =	vadd.bf16 v4, v3  }
0x59: {  	v57 =	vunpack.i.u.bf16.f32 v56;
	v5 =	vunpack.i.l.bf16.f32 v56  }
0x5a: {  	v4 =	vadd.f32 v5, v57;
	v58 =	vunpack.i.u.bf16.f32 v3;
	v3 =	vunpack.i.l.bf16.f32 v3  }
0x5b: {  	v3 =	vadd.f32 v3, v58  }
0x5c: {  	(xrf2) =	vadd.scan.msk.f32 $0xffff, v4  }
0x5d: {  	(xrf2) =	vadd.scan.msk.f32 $0xffff, v3;
	_ =	sdelay $0x6  }
0x5e: {  	v59 =	vmov s13;
	v60 =	vbroadcast v11, $0xF;
	v3, _, _ =	vpop (xrf2)  }
0x5f: {  	v61 =	vmov s25;
	s29 =	sadd.s32 $0x1, s29;
	vm0 =	veq.s32 v59, v0;
	v3 =	vbroadcast v3, $0xF  }
0x60: {  	vm13 =	veq.s32 v61, v0;
	p0 =	sne.s32 s29, $0x5;
	v2 =	vsel vm0, v60, v2;
	v62, _, _ =	vpop (xrf2)  }
.Ltmp1:
0x61: {  	v2 =	vsel vm13, v3, v2;
	v3 =	vmov s19;
	v4 =	vbroadcast v62, $0xF;
	v63, _, _ =	vpop (xrf2);
	(pc) =	sbr.rel @p0 .LBB2_3-.Ltmp1, $4  }
0x62: {  	vm14 =	veq.s32 v3, v0;
	v3 =	vmov s17;
	v5 =	vbroadcast v63, $0xF  }
0x63: {  	vm15 =	veq.s32 v3, v0;
	v2 =	vsel vm14, v4, v2  }
0x64: {  	v2 =	vsel vm15, v5, v2  }
0x65: {  	s31 =	sadd.s32 $0x400, s31;
	s1 =	sadd.s32 $0x400, s1;
	[tilespmem:v1+s0+$0x0 ss:$0x1] =	vst.idx.msk $0xffff, v2  }
0x66: {  	s29 =	smul.u32 $0xA0, s28;
	_ =	sdelay $0x1  }
0x67: {  	s0 =	sadd.s32 $0x9CE0, s29  }
0x68: {  	[tilespmem:s15], [sflag:$0x1] =	stream.indirect.gather [spmem:s2], $0x40, s0, s14, $0xb8;
	[tilespmem:$0x16170] =	vst v63  }
0x69: {  	s19 =	sadd.s32 $0xC3F0, s29  }
0x6a: {  	[tilespmem:s16], [sflag:$0x2] =	stream.indirect.gather [spmem:s2], $0x40, s19, s14, $0xb8;
	[tilespmem:$0x16170] =	vst v63  }
0x6b: {  	_ =	swait.ge [sflag:s23], $0x1400  }
0x6c: {  	[sflag:s23] =	ssyncset.done $0x0  }
0x6d: {  	[sflag:s23] =	ssyncadd.s32 $0xFFFFEC00  }
0x6e: {  	_ =	swait.ge [sflag:s24], $0x1400  }
0x6f: {  	s25 =	sadd.s32 $0xEAB0, s30;
	s30 =	simm.s32 $0x0;
	[sflag:s24] =	ssyncset.done $0x0  }
0x70: {  	s31 =	simm.s32 $0x13990;
	s1 =	simm.s32 $0x14D90;
	v1 =	vmov s25;
	[sflag:s24] =	ssyncadd.s32 $0xFFFFEC00  }
.LBB2_7:
0x71: {  	v2 =	vld [tilespmem:s31+$0xFFFFFFE0]  }
0x72: {  	v3 =	vld [tilespmem:s1+$0xFFFFFFE0]  }
0x73: {  	v4 =	vld [tilespmem:s31+$0xFFFFFFF0]  }
0x74: {  	v5 =	vld [tilespmem:s1+$0xFFFFFFF0]  }
0x75: {  	v6 =	vld [tilespmem:s31+$0x0]  }
0x76: {  	v7 =	vld [tilespmem:s1+$0x0]  }
0x77: {  	v8 =	vld [tilespmem:s31+$0x10]  }
0x78: {  	v9 =	vld [tilespmem:s1+$0x10];
	s0 =	sadd.s32 $0x40, s31  }
0x79: {  	s4 =	sadd.s32 $0x40, s1;
	v10 =	vld [tilespmem:s0+$0xFFFFFFE0]  }
0x7a: {  	v11 =	vld [tilespmem:s4+$0xFFFFFFE0]  }
0x7b: {  	v12 =	vld [tilespmem:s0+$0xFFFFFFF0]  }
0x7c: {  	v13 =	vld [tilespmem:s4+$0xFFFFFFF0];
	v2 =	vmul.bf16 v3, v2;
	v3 =	vmul.bf16 v5, v4  }
0x7d: {  	v4 =	vld [tilespmem:s0+$0x0];
	v5 =	vmul.bf16 v7, v6;
	v6 =	vmul.bf16 v9, v8  }
0x7e: {  	v7 =	vld [tilespmem:s4+$0x0]  }
0x7f: {  	v8 =	vld [tilespmem:s0+$0x10];
	v2 =	vadd.bf16 v3, v2;
	v3 =	vadd.bf16 v6, v5  }
0x80: {  	s0 =	sadd.s32 $0x40, s0;
	v5 =	vld [tilespmem:s4+$0x10]  }
0x81: {  	v15 =	vld [tilespmem:s0+$0xFFFFFFF0];
	v2 =	vadd.bf16 v3, v2  }
0x82: {  	v6 =	vld [tilespmem:s0+$0xFFFFFFE0];
	s4 =	sadd.s32 $0x40, s4  }
0x83: {  	v14 =	vld [tilespmem:s4+$0xFFFFFFE0];
	v3 =	vunpack.i.u.bf16.f32 v2;
	v2 =	vunpack.i.l.bf16.f32 v2  }
0x84: {  	v9 =	vmul.bf16 v13, v12;
	v16 =	vld [tilespmem:s4+$0xFFFFFFF0];
	v4 =	vmul.bf16 v7, v4;
	v2 =	vadd.f32 v2, v3  }
0x85: {  	v3 =	vmul.bf16 v11, v10;
	v10 =	vld [tilespmem:s0+$0x0];
	v5 =	vmul.bf16 v5, v8  }
0x86: {  	v11 =	vld [tilespmem:s4+$0x10];
	(xrf2) =	vadd.scan.msk.f32 $0xffff, v2  }
0x87: {  	v2 =	vld [tilespmem:s0+$0x10];
	v3 =	vadd.bf16 v9, v3;
	v4 =	vadd.bf16 v5, v4  }
0x88: {  	s12 =	sadd.s32 $0x40, s4;
	v8 =	vld [tilespmem:s4+$0x0]  }
0x89: {  	v7 =	vld [tilespmem:s12+$0xFFFFFFE0];
	v4 =	vadd.bf16 v4, v3  }
0x8a: {  	s5 =	sadd.s32 $0x40, s0;
	v14 =	vmul.bf16 v14, v6;
	v6 =	vld [tilespmem:s12+$0x0]  }
0x8b: {  	v5 =	vld [tilespmem:s5+$0xFFFFFFE0];
	v12 =	vunpack.i.u.bf16.f32 v4;
	v13 =	vunpack.i.l.bf16.f32 v4  }
0x8c: {  	v9 =	vld [tilespmem:s5+$0xFFFFFFF0];
	v12 =	vadd.f32 v13, v12;
	v11 =	vmul.bf16 v11, v2  }
0x8d: {  	v15 =	vmul.bf16 v16, v15;
	v3 =	vld [tilespmem:s12+$0xFFFFFFF0];
	v10 =	vmul.bf16 v8, v10  }
0x8e: {  	s25 =	simm.s32 $0x1;
	v8 =	vld [tilespmem:s5+$0x10];
	(xrf2) =	vadd.scan.msk.f32 $0xffff, v12  }
0x8f: {  	s19 =	simm.s32 $0x2;
	s17 =	simm.s32 $0x3;
	s13 =	simm.s32 $0x0;
	v4 =	vld [tilespmem:s5+$0x0];
	v12 =	vadd.bf16 v15, v14;
	v13 =	vadd.bf16 v11, v10  }
0x90: {  	s4 =	sadd.s32 $0x40, s5;
	s0 =	sshll.u32 s30, $0x4;
	s5 =	simm.s32 $0x4;
	v2 =	vimm.f32 $0.0e+00;
	v10 =	vld [tilespmem:s12+$0x10];
	v11, _, _ =	vpop (xrf2)  }
.LBB2_8:
0x91: {  	v14 =	vld [tilespmem:s4+$0xFFFFFFE0];
	p0 =	sne.s32 s5, $0xF;
	s12 =	sadd.s32 $0x40, s12;
	v12 =	vadd.bf16 v13, v12;
	v13 =	vmov s13;
	v11 =	vbroadcast v11, $0xF;
	s13 =	smov.u32 s25  }
0x92: {  	s25 =	smov.u32 s19;
	s19 =	smov.u32 s17;
	s17 =	smov.u32 s5;
	v15 =	vld [tilespmem:s12+$0xFFFFFFE0];
	vm0 =	veq.s32 v13, v0  }
0x93: {  	v16 =	vld [tilespmem:s4+$0xFFFFFFF0];
	v13 =	vunpack.i.u.bf16.f32 v12;
	v12 =	vunpack.i.l.bf16.f32 v12;
	v2 =	vsel vm0, v11, v2  }
.Ltmp2:
0x94: {  	v17 =	vmul.bf16 v7, v5;
	v9 =	vmul.bf16 v3, v9;
	v3 =	vld [tilespmem:s12+$0xFFFFFFF0];
	v12 =	vadd.f32 v12, v13;
	(pc) =	sbr.rel @p0 .LBB2_8-.Ltmp2, $4  }
0x95: {  	v18 =	vmul.bf16 v6, v4;
	v4 =	vld [tilespmem:s4+$0x0];
	v10 =	vmul.bf16 v10, v8  }
0x96: {  	v6 =	vld [tilespmem:s12+$0x0];
	(xrf2) =	vadd.scan.msk.f32 $0xffff, v12;
	v5 =	vmov v14  }
0x97: {  	v12 =	vadd.bf16 v9, v17;
	v8 =	vld [tilespmem:s4+$0x10];
	v13 =	vadd.bf16 v10, v18;
	v7 =	vmov v15  }
0x98: {  	s5 =	sadd.s32 $0x1, s5;
	s4 =	sadd.s32 $0x40, s4;
	v10 =	vld [tilespmem:s12+$0x10];
	v11, _, _ =	vpop (xrf2);
	v9 =	vmov v16  }
0x99: {  	_ =	sdelay $0x2  }
0x9a: {  	v5 =	vmul.bf16 v7, v5;
	v3 =	vmul.bf16 v3, v9  }
0x9b: {  	v4 =	vmul.bf16 v6, v4;
	v55 =	vmul.bf16 v10, v8;
	_ =	sdelay $0x1  }
0x9c: {  	v3 =	vadd.bf16 v3, v5;
	v4 =	vadd.bf16 v55, v4  }
0x9d: {  	v56 =	vadd.bf16 v13, v12  }
0x9e: {  	v3 =	vadd.bf16 v4, v3  }
0x9f: {  	v57 =	vunpack.i.u.bf16.f32 v56;
	v5 =	vunpack.i.l.bf16.f32 v56  }
0xa0: {  	v4 =	vadd.f32 v5, v57;
	v58 =	vunpack.i.u.bf16.f32 v3;
	v3 =	vunpack.i.l.bf16.f32 v3  }
0xa1: {  	v3 =	vadd.f32 v3, v58  }
0xa2: {  	(xrf2) =	vadd.scan.msk.f32 $0xffff, v4  }
0xa3: {  	(xrf2) =	vadd.scan.msk.f32 $0xffff, v3;
	_ =	sdelay $0x6  }
0xa4: {  	v59 =	vmov s13;
	v60 =	vbroadcast v11, $0xF;
	v3, _, _ =	vpop (xrf2)  }
0xa5: {  	v61 =	vmov s25;
	s30 =	sadd.s32 $0x1, s30;
	vm0 =	veq.s32 v59, v0;
	v3 =	vbroadcast v3, $0xF  }
0xa6: {  	vm13 =	veq.s32 v61, v0;
	p0 =	sne.s32 s30, $0x5;
	v2 =	vsel vm0, v60, v2;
	v62, _, _ =	vpop (xrf2)  }
.Ltmp3:
0xa7: {  	v2 =	vsel vm13, v3, v2;
	v3 =	vmov s19;
	v4 =	vbroadcast v62, $0xF;
	v63, _, _ =	vpop (xrf2);
	(pc) =	sbr.rel @p0 .LBB2_7-.Ltmp3, $4  }
0xa8: {  	vm14 =	veq.s32 v3, v0;
	v3 =	vmov s17;
	v5 =	vbroadcast v63, $0xF  }
0xa9: {  	vm15 =	veq.s32 v3, v0;
	v2 =	vsel vm14, v4, v2  }
0xaa: {  	v2 =	vsel vm15, v5, v2  }
0xab: {  	s31 =	sadd.s32 $0x400, s31;
	s1 =	sadd.s32 $0x400, s1;
	[tilespmem:v1+s0+$0x0 ss:$0x1] =	vst.idx.msk $0xffff, v2  }
0xac: {  	p0 =	seq.s32 s28, $0x3D  }
.Ltmp4:
0xad: {  	_ = 	snop;
	(pc) =	sbr.rel @p0 .LBB2_12-.Ltmp4, $1  }
0xae: {  	_ =	sdelay $0x3  }
.Ltmp5:
0xaf: {  	(pc) =	sbr.rel .LBB2_2-.Ltmp5, $4  }
0xb0: {  	s0 =	sadd.s32 $0x9D30, s29  }
0xb1: {  	[tilespmem:s18], [sflag:$0x3] =	stream.indirect.gather [spmem:s2], $0x40, s0, s14, $0xb8;
	[tilespmem:$0x16170] =	vst v63  }
0xb2: {  	s31 =	sadd.s32 $0xC440, s29;
	s28 =	sadd.s32 $0x1, s28  }
0xb3: {  	[tilespmem:s20], [sflag:$0x4] =	stream.indirect.gather [spmem:s2], $0x40, s31, s14, $0xb8;
	[tilespmem:$0x16170] =	vst v63  }
.LBB2_12:
0xb4: {  	_ =	swait.ge [sflag:s21], $0x1400  }
0xb5: {  	[sflag:s21] =	ssyncset.done $0x0  }
0xb6: {  	[sflag:s21] =	ssyncadd.s32 $0xFFFFEC00  }
0xb7: {  	_ =	swait.ge [sflag:s22], $0x1400  }
0xb8: {  	s28 =	simm.s32 $0x0;
	[sflag:s22] =	ssyncset.done $0x0  }
0xb9: {  	s1 =	simm.s32 $0x11190;
	s29 =	simm.s32 $0x12590;
	[sflag:s22] =	ssyncadd.s32 $0xFFFFEC00  }
.LBB2_13:
0xba: {  	v1 =	vld [tilespmem:s1+$0xFFFFFFE0]  }
0xbb: {  	v2 =	vld [tilespmem:s29+$0xFFFFFFE0]  }
0xbc: {  	v3 =	vld [tilespmem:s1+$0xFFFFFFF0]  }
0xbd: {  	v4 =	vld [tilespmem:s29+$0xFFFFFFF0]  }
0xbe: {  	v5 =	vld [tilespmem:s1+$0x0]  }
0xbf: {  	v6 =	vld [tilespmem:s29+$0x0]  }
0xc0: {  	v7 =	vld [tilespmem:s1+$0x10]  }
0xc1: {  	v8 =	vld [tilespmem:s29+$0x10];
	s0 =	sadd.s32 $0x40, s1  }
0xc2: {  	s4 =	sadd.s32 $0x40, s29;
	v9 =	vld [tilespmem:s0+$0xFFFFFFE0]  }
0xc3: {  	v10 =	vld [tilespmem:s4+$0xFFFFFFE0]  }
0xc4: {  	v11 =	vld [tilespmem:s0+$0xFFFFFFF0]  }
0xc5: {  	v12 =	vld [tilespmem:s4+$0xFFFFFFF0];
	v1 =	vmul.bf16 v2, v1;
	v2 =	vmul.bf16 v4, v3  }
0xc6: {  	v3 =	vld [tilespmem:s0+$0x0];
	v4 =	vmul.bf16 v6, v5;
	v5 =	vmul.bf16 v8, v7  }
0xc7: {  	v6 =	vld [tilespmem:s4+$0x0]  }
0xc8: {  	v7 =	vld [tilespmem:s0+$0x10];
	v1 =	vadd.bf16 v2, v1;
	v2 =	vadd.bf16 v5, v4  }
0xc9: {  	s0 =	sadd.s32 $0x40, s0;
	v4 =	vld [tilespmem:s4+$0x10]  }
0xca: {  	v14 =	vld [tilespmem:s0+$0xFFFFFFF0];
	v1 =	vadd.bf16 v2, v1  }
0xcb: {  	v5 =	vld [tilespmem:s0+$0xFFFFFFE0];
	s4 =	sadd.s32 $0x40, s4  }
0xcc: {  	v13 =	vld [tilespmem:s4+$0xFFFFFFE0];
	v2 =	vunpack.i.u.bf16.f32 v1;
	v1 =	vunpack.i.l.bf16.f32 v1  }
0xcd: {  	v8 =	vmul.bf16 v12, v11;
	v15 =	vld [tilespmem:s4+$0xFFFFFFF0];
	v3 =	vmul.bf16 v6, v3;
	v1 =	vadd.f32 v1, v2  }
0xce: {  	v2 =	vmul.bf16 v10, v9;
	v9 =	vld [tilespmem:s0+$0x0];
	v4 =	vmul.bf16 v4, v7  }
0xcf: {  	v10 =	vld [tilespmem:s4+$0x10];
	(xrf2) =	vadd.scan.msk.f32 $0xffff, v1  }
0xd0: {  	v1 =	vld [tilespmem:s0+$0x10];
	v2 =	vadd.bf16 v8, v2;
	v3 =	vadd.bf16 v4, v3  }
0xd1: {  	s12 =	sadd.s32 $0x40, s4;
	v7 =	vld [tilespmem:s4+$0x0]  }
0xd2: {  	v6 =	vld [tilespmem:s12+$0xFFFFFFE0];
	v3 =	vadd.bf16 v3, v2  }
0xd3: {  	s5 =	sadd.s32 $0x40, s0;
	v13 =	vmul.bf16 v13, v5;
	v5 =	vld [tilespmem:s12+$0x0]  }
0xd4: {  	v4 =	vld [tilespmem:s5+$0xFFFFFFE0];
	v11 =	vunpack.i.u.bf16.f32 v3;
	v12 =	vunpack.i.l.bf16.f32 v3  }
0xd5: {  	v8 =	vld [tilespmem:s5+$0xFFFFFFF0];
	v11 =	vadd.f32 v12, v11;
	v10 =	vmul.bf16 v10, v1  }
0xd6: {  	v14 =	vmul.bf16 v15, v14;
	v2 =	vld [tilespmem:s12+$0xFFFFFFF0];
	v9 =	vmul.bf16 v7, v9  }
0xd7: {  	s25 =	simm.s32 $0x1;
	v7 =	vld [tilespmem:s5+$0x10];
	(xrf2) =	vadd.scan.msk.f32 $0xffff, v11  }
0xd8: {  	s19 =	simm.s32 $0x2;
	s17 =	simm.s32 $0x3;
	s13 =	simm.s32 $0x0;
	v3 =	vld [tilespmem:s5+$0x0];
	v11 =	vadd.bf16 v14, v13;
	v12 =	vadd.bf16 v10, v9  }
0xd9: {  	s4 =	sadd.s32 $0x40, s5;
	s0 =	sshll.u32 s28, $0x4;
	s5 =	simm.s32 $0x4;
	v1 =	vimm.f32 $0.0e+00;
	v9 =	vld [tilespmem:s12+$0x10];
	v10, _, _ =	vpop (xrf2)  }
.LBB2_14:
0xda: {  	v13 =	vld [tilespmem:s4+$0xFFFFFFE0];
	p0 =	sne.s32 s5, $0xF;
	s12 =	sadd.s32 $0x40, s12;
	v11 =	vadd.bf16 v12, v11;
	v12 =	vmov s13;
	v10 =	vbroadcast v10, $0xF;
	s13 =	smov.u32 s25  }
0xdb: {  	s25 =	smov.u32 s19;
	s19 =	smov.u32 s17;
	s17 =	smov.u32 s5;
	v14 =	vld [tilespmem:s12+$0xFFFFFFE0];
	vm0 =	veq.s32 v12, v0  }
0xdc: {  	v15 =	vld [tilespmem:s4+$0xFFFFFFF0];
	v12 =	vunpack.i.u.bf16.f32 v11;
	v11 =	vunpack.i.l.bf16.f32 v11;
	v1 =	vsel vm0, v10, v1  }
.Ltmp6:
0xdd: {  	v16 =	vmul.bf16 v6, v4;
	v8 =	vmul.bf16 v2, v8;
	v2 =	vld [tilespmem:s12+$0xFFFFFFF0];
	v11 =	vadd.f32 v11, v12;
	(pc) =	sbr.rel @p0 .LBB2_14-.Ltmp6, $4  }
0xde: {  	v17 =	vmul.bf16 v5, v3;
	v3 =	vld [tilespmem:s4+$0x0];
	v9 =	vmul.bf16 v9, v7  }
0xdf: {  	v5 =	vld [tilespmem:s12+$0x0];
	(xrf2) =	vadd.scan.msk.f32 $0xffff, v11;
	v4 =	vmov v13  }
0xe0: {  	v11 =	vadd.bf16 v8, v16;
	v7 =	vld [tilespmem:s4+$0x10];
	v12 =	vadd.bf16 v9, v17;
	v6 =	vmov v14  }
0xe1: {  	s5 =	sadd.s32 $0x1, s5;
	s4 =	sadd.s32 $0x40, s4;
	v9 =	vld [tilespmem:s12+$0x10];
	v10, _, _ =	vpop (xrf2);
	v8 =	vmov v15  }
0xe2: {  	_ =	sdelay $0x2  }
0xe3: {  	v4 =	vmul.bf16 v6, v4;
	v2 =	vmul.bf16 v2, v8  }
0xe4: {  	v3 =	vmul.bf16 v5, v3;
	v59 =	vmul.bf16 v9, v7;
	_ =	sdelay $0x1  }
0xe5: {  	v2 =	vadd.bf16 v2, v4;
	v3 =	vadd.bf16 v59, v3  }
0xe6: {  	v60 =	vadd.bf16 v12, v11  }
0xe7: {  	v2 =	vadd.bf16 v3, v2  }
0xe8: {  	v4 =	vunpack.i.l.bf16.f32 v60;
	v3 =	vunpack.i.u.bf16.f32 v60  }
0xe9: {  	v3 =	vadd.f32 v4, v3;
	v61 =	vunpack.i.u.bf16.f32 v2;
	v2 =	vunpack.i.l.bf16.f32 v2  }
0xea: {  	v2 =	vadd.f32 v2, v61  }
0xeb: {  	(xrf2) =	vadd.scan.msk.f32 $0xffff, v3  }
0xec: {  	(xrf2) =	vadd.scan.msk.f32 $0xffff, v2;
	_ =	sdelay $0x4  }
0xed: {  	v3 =	vmov s13  }
0xee: {  	vm0 =	veq.s32 v3, v0;
	v3 =	vmov s25  }
0xef: {  	v62 =	vbroadcast v10, $0xF;
	v2, _, _ =	vpop (xrf2)  }
0xf0: {  	s28 =	sadd.s32 $0x1, s28;
	v2 =	vbroadcast v2, $0xF  }
0xf1: {  	p0 =	sne.s32 s28, $0x5;
	v1 =	vsel vm0, v62, v1;
	vm13 =	veq.s32 v3, v0;
	v3, _, _ =	vpop (xrf2)  }
.Ltmp7:
0xf2: {  	v1 =	vsel vm13, v2, v1;
	v2 =	vmov s19;
	v3 =	vbroadcast v3, $0xF;
	v63, _, _ =	vpop (xrf2);
	(pc) =	sbr.rel @p0 .LBB2_13-.Ltmp7, $4  }
0xf3: {  	vm14 =	veq.s32 v2, v0;
	v2 =	vmov s17;
	v4 =	vbroadcast v63, $0xF  }
0xf4: {  	vm15 =	veq.s32 v2, v0;
	v1 =	vsel vm14, v3, v1  }
0xf5: {  	v1 =	vsel vm15, v4, v1  }
0xf6: {  	s1 =	sadd.s32 $0x400, s1;
	s29 =	sadd.s32 $0x400, s29;
	[tilespmem:s0+$0x11120] =	vst v1  }
0xf7: {  	s26 =	sadd.s32 $0x1, s26  }
0xf8: {  	p0 =	sne.s32 s26, s9  }
.Ltmp8:
0xf9: {  	s0 =	simm.s32 $0xEA60;
	(pc) =	sbr.rel @p0 .LBB2_1-.Ltmp8, $4  }
0xfa: {  	[hbm4b:s8+s3] =	stream.linear.scatter [tilespmem:s0], [sflag:$0x5], $0x2710, $0x38;
	[tilespmem:$0x16170] =	vst v63  }
0xfb: {  	_ =	swait.ge [sflag:s11], $0x2710  }
0xfc: {  	[sflag:s11] =	ssyncset.done $0x0  }
0xfd: {  	[sflag:s11] =	ssyncadd.s32 $0xFFFFD8F0  }
0xfe: {  	_ =	sfence.sel $0x180000  }
0xff: {  	[bflag:$0x0] =	sbarrier.arrive $0xFFFF  }
0x100: {  	_ =	strace $0x90000047  }
0x101: {  	s0 =	stileid.u32;
	[bflag:$0x2] =	sbarrier.arrive $0xFFFF  }
0x102: {  	p0 =	sne.s32 s0, $0x0;
	s0 =	rddreg [dreg:$0x3]  }
0x103: {  	s0 =	sadd.s32 @!p0 $0x100000, s0  }
0x104: {  	[sflag:s0] =	ssyncadd.tile.s32 @!p0 $0x1;
	_ =	shalt  }
.Lfunc_end2:
_tile_overlayer_lowered:
.L_overlay_start_2:
0x105: {  	(tag) =	ssettag $0x2  }
0x106: {  	s0 =	rddreg [dreg:$0x0];
	s2 =	stileid.u32  }
0x107: {  	s1 =	rddreg [dreg:$0x1];
	p0 =	sne.s32 s2, $0x0  }
0x108: {  	s3 =	rddreg [dreg:$0x2];
	[bflag:$0x3] =	sbarrier.arrive $0xFFFF;
	s2 =	simm.s32 @!p0 $0x1C05  }
0x109: {  	[timem:s3], [sflag:s2] =	dma.local @!p0 [hbm:s0], s1  }
0x10a: {  	s0 =	simm.s32 @!p0 $0x5  }
0x10b: {  	_ =	swait.ge @!p0 [sflag:s0], s1  }
0x10c: {  	s1 =	ssub.s32 @!p0 $0x0, s1;
	[sflag:s0] =	ssyncset.done @!p0 $0x0  }
0x10d: {  	[sflag:s0] =	ssyncadd.s32 @!p0 s1  }
0x10e: {  	[bflag:$0x3] =	sbarrier.arrive $0xFFFF  }
0x10f: {  	_ =	shalt  }

</sc_bundles>
